<compile_context>
chip_gen: v7x
topology: tpu7x:2x2x1
jax: 0.10.2.dev20260603
libtpu: 0.0.44.dev20260713+nightly
codegen_flags: <defaults>
</compile_context>

<pallas_src>
import jax
import jax.numpy as jnp
from jax import lax
from jax.experimental import pallas as pl
from jax.experimental.pallas import tpu as pltpu
from jax.experimental.pallas import tpu_sc as plsc

_N = 10000
_E = 320000
_D = 128
_H = 128
_MAX_IT = 10

_NC = 2
_NS = 16
_NW = _NC * _NS
_CH = 128
_NPAD = 10112
_RPS = _NPAD // _NS
_NPASS = 4
_EPW = 10752
_EPP = _EPW // _NPASS
_NCHUNK = _EPP // _CH
_EPAD = _EPW * _NW
_LROWS = 128
_LMASK = _LROWS - 1

_HALF_SIZES = [10080] * 11 + [9840] * 4 + [9760]
_CUT_LIST = [0]
for _sz in _HALF_SIZES + _HALF_SIZES:
    _CUT_LIST.append(_CUT_LIST[-1] + _sz)


def _agg_body(state, srcs, slots, rmv, dstb, zeros, out,
              src_v, slot_v, rmv_v, rows_v, local, rowmap, aggr, dstb_v, sem):
    c = lax.axis_index("c")
    s = lax.axis_index("s")
    w = c * _NS + s
    pltpu.sync_copy(zeros, aggr.at[pl.ds(s * _RPS, _RPS)])
    plsc.subcore_barrier()

    def one_pass(p, carry):
        pltpu.sync_copy(zeros.at[pl.ds(0, _LROWS)], local)
        for g in range(_CH // 16):
            rowmap[0, pl.ds(g * 16, 16)] = jnp.full(
                (16,), _N + (g * 13) % (_NPAD - _N), jnp.int32)
        base = w * _EPW + p * _EPP

        def chunk(j, cc2):
            off = base + j * _CH
            pltpu.sync_copy(srcs.at[pl.ds(off, _CH)], src_v)
            pltpu.sync_copy(slots.at[pl.ds(off, _CH)], slot_v)
            pltpu.sync_copy(rmv.at[pl.ds(off, _CH)], rmv_v)
            pltpu.sync_copy(dstb.at[pl.ds(off * 16, _CH * 16)], dstb_v)
            pltpu.async_copy(state.at[src_v], rows_v, sem).wait()

            def edge(e, cc):
                slot = dstb_v[pl.ds(e * 16, 16)]
                for cg in range(_H // 16):
                    cols = lax.iota(jnp.int32, 16) + (cg * 16)
                    vals = rows_v[e, pl.ds(cg * 16, 16)]
                    plsc.addupdate_scatter(local, [slot, cols], vals)
                return cc

            lax.fori_loop(0, _CH, edge, 0)
            for g in range(_CH // 16):
                sl = slot_v[pl.ds(g * 16, 16)]
                mvec = rmv_v[pl.ds(g * 16, 16)]
                msk = mvec >= jnp.zeros((16,), jnp.int32)
                plsc.store_scatter(rowmap, [jnp.zeros((16,), jnp.int32), sl],
                                   mvec, mask=msk)
            return cc2

        lax.fori_loop(0, _NCHUNK, chunk, 0)
        pltpu.sync_copy(local, aggr.at[rowmap.at[0]], add=True)
        return carry

    lax.fori_loop(0, _NPASS, one_pass, 0)
    plsc.subcore_barrier()
    pltpu.sync_copy(aggr.at[pl.ds(s * _RPS, _RPS)],
                    out.at[c, pl.ds(s * _RPS, _RPS)])


_aggregate = pl.kernel(
    _agg_body,
    out_type=jax.ShapeDtypeStruct((_NC, _NPAD, _H), jnp.float32),
    mesh=plsc.VectorSubcoreMesh(core_axis_name="c", subcore_axis_name="s"),
    compiler_params=pltpu.CompilerParams(needs_layout_passes=False),
    scratch_types=[
        pltpu.VMEM((_CH,), jnp.int32),
        pltpu.VMEM((_CH,), jnp.int32),
        pltpu.VMEM((_CH,), jnp.int32),
        pltpu.VMEM((_CH, _H), jnp.float32),
        pltpu.VMEM((_LROWS, _H), jnp.float32),
        pltpu.VMEM((1, _LROWS), jnp.int32),
        pltpu.VMEM_SHARED((_NPAD, _H), jnp.float32),
        pltpu.VMEM((_CH * 16,), jnp.int32),
        pltpu.SemaphoreType.DMA,
    ],
)


def _proj_body(x_ref, wt_ref, u_ref, s_ref):
    u = jnp.dot(x_ref[...], wt_ref[...], preferred_element_type=jnp.float32)
    u_ref[...] = u
    s_ref[...] = jnp.tanh(u)


def _proj(x, wt):
    return pl.pallas_call(
        _proj_body,
        out_shape=(
            jax.ShapeDtypeStruct((_NPAD, _H), jnp.float32),
            jax.ShapeDtypeStruct((_NPAD, _H), jnp.float32),
        ),
    )(x, wt)


def _update_body(u_ref, p_ref, w_ref, o_ref):
    agg = p_ref[0] + p_ref[1]
    o_ref[...] = jnp.tanh(
        u_ref[...] + jnp.dot(agg, w_ref[...], preferred_element_type=jnp.float32))
    o_ref[pl.ds(_N, _NPAD - _N), :] = jnp.zeros((_NPAD - _N, _H), jnp.float32)


def _update(u, p, w):
    return pl.pallas_call(
        _update_body,
        out_shape=jax.ShapeDtypeStruct((_NPAD, _H), jnp.float32),
    )(u, p, w)


def _layout_edges(src, dst):
    order = jnp.argsort(dst, stable=True)
    ss = src[order]
    ds = dst[order]
    cuts = jnp.array(_CUT_LIST, jnp.int32)
    left = jnp.searchsorted(ds, ds, side="left").astype(jnp.int32)
    wstart = cuts[:-1]
    wend = cuts[1:]
    cw = [wstart]
    for p in range(1, _NPASS):
        cand = jnp.minimum(cw[-1] + _EPP, wend)
        nb = jnp.where(cand >= wend, wend,
                       jnp.maximum(left[jnp.minimum(cand, _E - 1)], cw[-1]))
        cw.append(nb.astype(jnp.int32))
    cw.append(wend)
    cwm = jnp.stack(cw)
    e = jnp.arange(_E, dtype=jnp.int32)
    w_e = jnp.searchsorted(cuts[1:], e, side="right").astype(jnp.int32)
    pa = ((e >= cwm[1][w_e]).astype(jnp.int32)
          + (e >= cwm[2][w_e]).astype(jnp.int32)
          + (e >= cwm[3][w_e]).astype(jnp.int32))
    pass_base = cwm[pa, w_e]
    newpos = w_e * _EPW + pa * _EPP + (e - pass_base)
    ar = jnp.arange(_EPAD, dtype=jnp.int32)
    src_p = (_N + ar % (_NPAD - _N)).at[newpos].set(ss)
    slotv = jnp.zeros((_EPAD,), jnp.int32).at[newpos].set(
        jnp.bitwise_and(ds, _LMASK))
    rmv = jnp.full((_EPAD,), -1, jnp.int32).at[newpos].set(ds)
    slotb = jnp.repeat(slotv, 16)
    return src_p, slotv, rmv, slotb


def kernel(edge_index, x, W_in0, W_rec0, W_in1, W_rec1):
    src = edge_index[0].astype(jnp.int32)
    dst = edge_index[1].astype(jnp.int32)
    src_p, slotv, rmv, slotb = _layout_edges(src, dst)
    zeros = jnp.zeros((_RPS, _H), jnp.float32)
    x_pad = jnp.pad(x, ((0, _NPAD - _N), (0, 0)))

    def step(u, w_rec, s):
        p = _aggregate(s, src_p, slotv, rmv, slotb, zeros)
        return _update(u, p, w_rec)

    u0, s = _proj(x_pad, W_in0.T)
    s = lax.fori_loop(0, _MAX_IT - 1, lambda i, st: step(u0, W_rec0, st), s)
    u1, s = _proj(s, W_in1.T)
    s = lax.fori_loop(0, _MAX_IT - 1, lambda i, st: step(u1, W_rec1, st), s)
    return s[:_N]

# --- scband reference (transcript-rebuilt; emitter-appended) ---
"""Pipeline reference for scband-sparse-static-graph-reservoir-7249904796085 (READ-ONLY COPY).

The authoritative reference and input builder live on the scoring server;
editing this copy changes nothing except your own understanding.
"""

import jax, jax.numpy as jnp
import numpy as np

N = 10000
E = 320000
D = 128
H = 128
MAX_IT = 10


def setup_inputs(seed: int = 0) -> dict:
    key = jax.random.key(seed)
    k1, k2, k3, k4, k5, k6 = jax.random.split(key, 6)
    edge_index = jax.random.randint(k1, (2, E), 0, N)
    x = jax.random.normal(k2, (N, D), dtype=jnp.float32)
    # Reservoir (frozen) parameters, sized per init_kwargs
    W_in0 = jax.random.normal(k3, (H, D), dtype=jnp.float32) / jnp.sqrt(D)
    W_rec0 = jax.random.normal(k4, (H, H), dtype=jnp.float32) * 0.05
    W_in1 = jax.random.normal(k5, (H, H), dtype=jnp.float32) / jnp.sqrt(H)
    W_rec1 = jax.random.normal(k6, (H, H), dtype=jnp.float32) * 0.05
    return {"edge_index": edge_index, "x": x, "W_in0": W_in0, "W_rec0": W_rec0, "W_in1": W_in1, "W_rec1": W_rec1}


def _embed(edge_index, u, W_rec):
    # Fixed-point iteration of one SparseReservoirConvLayer:
    #   aggr = sum_{j in N(i)} state_j  (scatter-add over edges, src -> dst)
    #   state = tanh(u + aggr @ W_rec)   [(W_rec.T @ aggr.T).T == aggr @ W_rec]
    src = edge_index[0]
    dst = edge_index[1]
    state = jnp.zeros_like(u)
    for _ in range(MAX_IT):
        msgs = state[src]  # gather source node states (message x_j)
        aggr = jax.ops.segment_sum(msgs, dst, num_segments=u.shape[0])
        state = jnp.tanh(u + aggr @ W_rec)
    return state


def reference(edge_index, x, W_in0, W_rec0, W_in1, W_rec1):
    # Layer 0: project input then iterate to (approximate) fixed point
    u0 = x @ W_in0.T
    s0 = _embed(edge_index, u0, W_rec0)
    # Layer 1: takes previous layer's embedding as input
    u1 = s0 @ W_in1.T
    s1 = _embed(edge_index, u1, W_rec1)
    # fully=False, pooling=None -> return final layer node embeddings
    return s1

if __name__ == "__main__":
    import jax
    _d = setup_inputs()
    print(jax.jit(kernel)(*tuple(_d.values())))

</pallas_src>

<mosaic_0001>
#map = affine_map<(d0, d1) -> (0, 0)>
#map1 = affine_map<(d0, d1) -> (0)>
#map2 = affine_map<(d0, d1) -> (0, 0, 0)>
module attributes {stable_mosaic.version = 14 : i64} {
  func.func @_agg_body(%arg0: i32, %arg1: i32, %arg2: memref<10112x128xf32, #tpu.memory_space<hbm>>, %arg3: memref<344064xi32, #tpu.memory_space<hbm>>, %arg4: memref<344064xi32, #tpu.memory_space<hbm>>, %arg5: memref<344064xi32, #tpu.memory_space<hbm>>, %arg6: memref<5505024xi32, #tpu.memory_space<hbm>>, %arg7: memref<632x128xf32, #tpu.memory_space<hbm>>, %arg8: memref<2x10112x128xf32, #tpu.memory_space<hbm>>, %arg9: memref<128xi32, #tpu.memory_space<vmem>>, %arg10: memref<128xi32, #tpu.memory_space<vmem>>, %arg11: memref<128xi32, #tpu.memory_space<vmem>>, %arg12: memref<128x128xf32, #tpu.memory_space<vmem>>, %arg13: memref<128x128xf32, #tpu.memory_space<vmem>>, %arg14: memref<1x128xi32, #tpu.memory_space<vmem>>, %arg15: memref<10112x128xf32, #tpu.memory_space<vmem_shared>>, %arg16: memref<2048xi32, #tpu.memory_space<vmem>>, %arg17: memref<!tpu.dma_semaphore, #tpu.memory_space<semaphore_mem>>) attributes {dimension_semantics = [#tpu.dimension_semantics<core_parallel>, #tpu.dimension_semantics<subcore_parallel>], iteration_bounds = array<i64: 2, 16>, scalar_prefetch = 0 : i64, scratch_operands = 9 : i64, tpu.core_type = #tpu.core_type<sc_vector_subcore>, window_params = [{transform_indices = #map}, {transform_indices = #map1}, {transform_indices = #map1}, {transform_indices = #map1}, {transform_indices = #map1}, {transform_indices = #map}, {transform_indices = #map2}]} {
    %mul3A = arith.constant 16 : i32
    %mul3A_0 = arith.muli %arg0, %mul3A : i32
    %add3A = arith.addi %mul3A_0, %arg1 : i32
    %mul3A_1 = arith.constant 632 : i32
    %mul3A_2 = arith.muli %arg1, %mul3A_1 : i32
    "tpu.region"() ({
      %run_scoped3A = tpu.sem_alloc : memref<!tpu.dma_semaphore, #tpu.memory_space<semaphore_mem>>
      %dma_start3A = arith.constant 0 : i32
      %dma_start3A_13 = tpu.memref_slice %arg15[%mul3A_2, %dma_start3A] : memref<10112x128xf32, #tpu.memory_space<vmem_shared>> -> memref<632x128xf32, #tpu.memory_space<vmem_shared>>
      tpu.enqueue_dma source(%arg7 : memref<632x128xf32, #tpu.memory_space<hbm>>) target(%dma_start3A_13 : memref<632x128xf32, #tpu.memory_space<vmem_shared>>) target_semaphore(%run_scoped3A : memref<!tpu.dma_semaphore, #tpu.memory_space<semaphore_mem>>)
      %dma_wait3A = arith.constant 0 : i32
      %dma_wait3A_14 = tpu.memref_slice %arg15[%mul3A_2, %dma_wait3A] : memref<10112x128xf32, #tpu.memory_space<vmem_shared>> -> memref<632x128xf32, #tpu.memory_space<vmem_shared>>
      tpu.wait_dma2 semaphore(%run_scoped3A : memref<!tpu.dma_semaphore, #tpu.memory_space<semaphore_mem>>) src(%arg7 : memref<632x128xf32, #tpu.memory_space<hbm>>) dst(%dma_wait3A_14 : memref<632x128xf32, #tpu.memory_space<vmem_shared>>)
      tpu.yield
    }) : () -> ()
    %barrier3A = arith.constant 0 : index
    tpu.barrier barrier_id(%barrier3A)
    %scan3A = arith.constant 0 : i32
    %scan3A_3 = arith.constant 0 : i32
    %scan3A_4 = arith.constant 4 : i32
    %scan3A_5 = arith.addi %scan3A_3, %scan3A_4 : i32
    %scan3A_6 = arith.constant 1 : i32
    scf.for %scan3A_13 = %scan3A_3 to %scan3A_5 step %scan3A_6  : i32 {
      "tpu.region"() ({
        %run_scoped3A_71 = tpu.sem_alloc : memref<!tpu.dma_semaphore, #tpu.memory_space<semaphore_mem>>
        %dma_start3A = arith.constant 0 : i32
        %dma_start3A_72 = arith.constant 0 : i32
        %dma_start3A_73 = tpu.memref_slice %arg7[%dma_start3A, %dma_start3A_72] : memref<632x128xf32, #tpu.memory_space<hbm>> -> memref<128x128xf32, #tpu.memory_space<hbm>>
        %dma_start3A_74 = arith.constant 0 : i32
        %dma_start3A_75 = arith.constant 0 : i32
        %dma_start3A_76 = tpu.memref_slice %arg7[%dma_start3A_74, %dma_start3A_75] : memref<632x128xf32, #tpu.memory_space<hbm>> -> memref<128x128xf32, #tpu.memory_space<hbm>>
        tpu.enqueue_dma source(%dma_start3A_76 : memref<128x128xf32, #tpu.memory_space<hbm>>) target(%arg13 : memref<128x128xf32, #tpu.memory_space<vmem>>) target_semaphore(%run_scoped3A_71 : memref<!tpu.dma_semaphore, #tpu.memory_space<semaphore_mem>>)
        %dma_wait3A = arith.constant 0 : i32
        %dma_wait3A_77 = arith.constant 0 : i32
        %dma_wait3A_78 = tpu.memref_slice %arg7[%dma_wait3A, %dma_wait3A_77] : memref<632x128xf32, #tpu.memory_space<hbm>> -> memref<128x128xf32, #tpu.memory_space<hbm>>
        %dma_wait3A_79 = arith.constant 0 : i32
        %dma_wait3A_80 = arith.constant 0 : i32
        %dma_wait3A_81 = tpu.memref_slice %arg7[%dma_wait3A_79, %dma_wait3A_80] : memref<632x128xf32, #tpu.memory_space<hbm>> -> memref<128x128xf32, #tpu.memory_space<hbm>>
        tpu.wait_dma2 semaphore(%run_scoped3A_71 : memref<!tpu.dma_semaphore, #tpu.memory_space<semaphore_mem>>) src(%dma_wait3A_81 : memref<128x128xf32, #tpu.memory_space<hbm>>) dst(%arg13 : memref<128x128xf32, #tpu.memory_space<vmem>>)
        tpu.yield
      }) : () -> ()
      %broadcast_in_dim3A = arith.constant 10000 : i32
      %broadcast_in_dim3A_14 = vector.broadcast %broadcast_in_dim3A : i32 to vector<16xi32>
      %swap3A = arith.constant 0 : i32
      %swap3A_15 = arith.index_cast %swap3A : i32 to index
      %swap3A_16 = arith.constant 0 : index
      %swap3A_17 = tpu.vector_load %arg14[%swap3A_15, %swap3A_16] {strides = array<i32>} : memref<1x128xi32, #tpu.memory_space<vmem>>, vector<16xi32>,
      tpu.vector_store %arg14[%swap3A_15, %swap3A_16], %broadcast_in_dim3A_14 {strides = array<i32>} : memref<1x128xi32, #tpu.memory_space<vmem>>, vector<16xi32>,
      %broadcast_in_dim3A_18 = arith.constant 10013 : i32
      %broadcast_in_dim3A_19 = vector.broadcast %broadcast_in_dim3A_18 : i32 to vector<16xi32>
      %swap3A_20 = arith.constant 0 : i32
      %swap3A_21 = arith.index_cast %swap3A_20 : i32 to index
      %swap3A_22 = arith.constant 16 : index
      %swap3A_23 = tpu.vector_load %arg14[%swap3A_21, %swap3A_22] {strides = array<i32>} : memref<1x128xi32, #tpu.memory_space<vmem>>, vector<16xi32>,
      tpu.vector_store %arg14[%swap3A_21, %swap3A_22], %broadcast_in_dim3A_19 {strides = array<i32>} : memref<1x128xi32, #tpu.memory_space<vmem>>, vector<16xi32>,
      %broadcast_in_dim3A_24 = arith.constant 10026 : i32
      %broadcast_in_dim3A_25 = vector.broadcast %broadcast_in_dim3A_24 : i32 to vector<16xi32>
      %swap3A_26 = arith.constant 0 : i32
      %swap3A_27 = arith.index_cast %swap3A_26 : i32 to index
      %swap3A_28 = arith.constant 32 : index
      %swap3A_29 = tpu.vector_load %arg14[%swap3A_27, %swap3A_28] {strides = array<i32>} : memref<1x128xi32, #tpu.memory_space<vmem>>, vector<16xi32>,
      tpu.vector_store %arg14[%swap3A_27, %swap3A_28], %broadcast_in_dim3A_25 {strides = array<i32>} : memref<1x128xi32, #tpu.memory_space<vmem>>, vector<16xi32>,
      %broadcast_in_dim3A_30 = arith.constant 10039 : i32
      %broadcast_in_dim3A_31 = vector.broadcast %broadcast_in_dim3A_30 : i32 to vector<16xi32>
      %swap3A_32 = arith.constant 0 : i32
      %swap3A_33 = arith.index_cast %swap3A_32 : i32 to index
      %swap3A_34 = arith.constant 48 : index
      %swap3A_35 = tpu.vector_load %arg14[%swap3A_33, %swap3A_34] {strides = array<i32>} : memref<1x128xi32, #tpu.memory_space<vmem>>, vector<16xi32>,
      tpu.vector_store %arg14[%swap3A_33, %swap3A_34], %broadcast_in_dim3A_31 {strides = array<i32>} : memref<1x128xi32, #tpu.memory_space<vmem>>, vector<16xi32>,
      %broadcast_in_dim3A_36 = arith.constant 10052 : i32
      %broadcast_in_dim3A_37 = vector.broadcast %broadcast_in_dim3A_36 : i32 to vector<16xi32>
      %swap3A_38 = arith.constant 0 : i32
      %swap3A_39 = arith.index_cast %swap3A_38 : i32 to index
      %swap3A_40 = arith.constant 64 : index
      %swap3A_41 = tpu.vector_load %arg14[%swap3A_39, %swap3A_40] {strides = array<i32>} : memref<1x128xi32, #tpu.memory_space<vmem>>, vector<16xi32>,
      tpu.vector_store %arg14[%swap3A_39, %swap3A_40], %broadcast_in_dim3A_37 {strides = array<i32>} : memref<1x128xi32, #tpu.memory_space<vmem>>, vector<16xi32>,
      %broadcast_in_dim3A_42 = arith.constant 10065 : i32
      %broadcast_in_dim3A_43 = vector.broadcast %broadcast_in_dim3A_42 : i32 to vector<16xi32>
      %swap3A_44 = arith.constant 0 : i32
      %swap3A_45 = arith.index_cast %swap3A_44 : i32 to index
      %swap3A_46 = arith.constant 80 : index
      %swap3A_47 = tpu.vector_load %arg14[%swap3A_45, %swap3A_46] {strides = array<i32>} : memref<1x128xi32, #tpu.memory_space<vmem>>, vector<16xi32>,
      tpu.vector_store %arg14[%swap3A_45, %swap3A_46], %broadcast_in_dim3A_43 {strides = array<i32>} : memref<1x128xi32, #tpu.memory_space<vmem>>, vector<16xi32>,
      %broadcast_in_dim3A_48 = arith.constant 10078 : i32
      %broadcast_in_dim3A_49 = vector.broadcast %broadcast_in_dim3A_48 : i32 to vector<16xi32>
      %swap3A_50 = arith.constant 0 : i32
      %swap3A_51 = arith.index_cast %swap3A_50 : i32 to index
      %swap3A_52 = arith.constant 96 : index
      %swap3A_53 = tpu.vector_load %arg14[%swap3A_51, %swap3A_52] {strides = array<i32>} : memref<1x128xi32, #tpu.memory_space<vmem>>, vector<16xi32>,
      tpu.vector_store %arg14[%swap3A_51, %swap3A_52], %broadcast_in_dim3A_49 {strides = array<i32>} : memref<1x128xi32, #tpu.memory_space<vmem>>, vector<16xi32>,
      %broadcast_in_dim3A_54 = arith.constant 10091 : i32
      %broadcast_in_dim3A_55 = vector.broadcast %broadcast_in_dim3A_54 : i32 to vector<16xi32>
      %swap3A_56 = arith.constant 0 : i32
      %swap3A_57 = arith.index_cast %swap3A_56 : i32 to index
      %swap3A_58 = arith.constant 112 : index
      %swap3A_59 = tpu.vector_load %arg14[%swap3A_57, %swap3A_58] {strides = array<i32>} : memref<1x128xi32, #tpu.memory_space<vmem>>, vector<16xi32>,
      tpu.vector_store %arg14[%swap3A_57, %swap3A_58], %broadcast_in_dim3A_55 {strides = array<i32>} : memref<1x128xi32, #tpu.memory_space<vmem>>, vector<16xi32>,
      %mul3A_60 = arith.constant 10752 : i32
      %mul3A_61 = arith.muli %add3A, %mul3A_60 : i32
      %mul3A_62 = arith.constant 2688 : i32
      %mul3A_63 = arith.muli %scan3A_13, %mul3A_62 : i32
      %add3A_64 = arith.addi %mul3A_61, %mul3A_63 : i32
      %scan3A_65 = arith.constant 0 : i32
      %scan3A_66 = arith.constant 0 : i32
      %scan3A_67 = arith.constant 21 : i32
      %scan3A_68 = arith.addi %scan3A_66, %scan3A_67 : i32
      %scan3A_69 = arith.constant 1 : i32
      scf.for %scan3A_71 = %scan3A_66 to %scan3A_68 step %scan3A_69  : i32 {
        %mul3A_72 = arith.constant 128 : i32
        %mul3A_73 = arith.muli %scan3A_71, %mul3A_72 : i32
        %add3A_74 = arith.addi %add3A_64, %mul3A_73 : i32
        "tpu.region"() ({
          %run_scoped3A_157 = tpu.sem_alloc : memref<!tpu.dma_semaphore, #tpu.memory_space<semaphore_mem>>
          %dma_start3A_158 = tpu.memref_slice %arg3[%add3A_74] : memref<344064xi32, #tpu.memory_space<hbm>> -> memref<128xi32, #tpu.memory_space<hbm>>
          %dma_start3A_159 = tpu.memref_slice %arg3[%add3A_74] : memref<344064xi32, #tpu.memory_space<hbm>> -> memref<128xi32, #tpu.memory_space<hbm>>
          tpu.enqueue_dma source(%dma_start3A_159 : memref<128xi32, #tpu.memory_space<hbm>>) target(%arg9 : memref<128xi32, #tpu.memory_space<vmem>>) target_semaphore(%run_scoped3A_157 : memref<!tpu.dma_semaphore, #tpu.memory_space<semaphore_mem>>)
          %dma_wait3A_160 = tpu.memref_slice %arg3[%add3A_74] : memref<344064xi32, #tpu.memory_space<hbm>> -> memref<128xi32, #tpu.memory_space<hbm>>
          %dma_wait3A_161 = tpu.memref_slice %arg3[%add3A_74] : memref<344064xi32, #tpu.memory_space<hbm>> -> memref<128xi32, #tpu.memory_space<hbm>>
          tpu.wait_dma2 semaphore(%run_scoped3A_157 : memref<!tpu.dma_semaphore, #tpu.memory_space<semaphore_mem>>) src(%dma_wait3A_161 : memref<128xi32, #tpu.memory_space<hbm>>) dst(%arg9 : memref<128xi32, #tpu.memory_space<vmem>>)
          tpu.yield
        }) : () -> ()
        "tpu.region"() ({
          %run_scoped3A_157 = tpu.sem_alloc : memref<!tpu.dma_semaphore, #tpu.memory_space<semaphore_mem>>
          %dma_start3A_158 = tpu.memref_slice %arg4[%add3A_74] : memref<344064xi32, #tpu.memory_space<hbm>> -> memref<128xi32, #tpu.memory_space<hbm>>
          %dma_start3A_159 = tpu.memref_slice %arg4[%add3A_74] : memref<344064xi32, #tpu.memory_space<hbm>> -> memref<128xi32, #tpu.memory_space<hbm>>
          tpu.enqueue_dma source(%dma_start3A_159 : memref<128xi32, #tpu.memory_space<hbm>>) target(%arg10 : memref<128xi32, #tpu.memory_space<vmem>>) target_semaphore(%run_scoped3A_157 : memref<!tpu.dma_semaphore, #tpu.memory_space<semaphore_mem>>)
          %dma_wait3A_160 = tpu.memref_slice %arg4[%add3A_74] : memref<344064xi32, #tpu.memory_space<hbm>> -> memref<128xi32, #tpu.memory_space<hbm>>
          %dma_wait3A_161 = tpu.memref_slice %arg4[%add3A_74] : memref<344064xi32, #tpu.memory_space<hbm>> -> memref<128xi32, #tpu.memory_space<hbm>>
          tpu.wait_dma2 semaphore(%run_scoped3A_157 : memref<!tpu.dma_semaphore, #tpu.memory_space<semaphore_mem>>) src(%dma_wait3A_161 : memref<128xi32, #tpu.memory_space<hbm>>) dst(%arg10 : memref<128xi32, #tpu.memory_space<vmem>>)
          tpu.yield
        }) : () -> ()
        "tpu.region"() ({
          %run_scoped3A_157 = tpu.sem_alloc : memref<!tpu.dma_semaphore, #tpu.memory_space<semaphore_mem>>
          %dma_start3A_158 = tpu.memref_slice %arg5[%add3A_74] : memref<344064xi32, #tpu.memory_space<hbm>> -> memref<128xi32, #tpu.memory_space<hbm>>
          %dma_start3A_159 = tpu.memref_slice %arg5[%add3A_74] : memref<344064xi32, #tpu.memory_space<hbm>> -> memref<128xi32, #tpu.memory_space<hbm>>
          tpu.enqueue_dma source(%dma_start3A_159 : memref<128xi32, #tpu.memory_space<hbm>>) target(%arg11 : memref<128xi32, #tpu.memory_space<vmem>>) target_semaphore(%run_scoped3A_157 : memref<!tpu.dma_semaphore, #tpu.memory_space<semaphore_mem>>)
          %dma_wait3A_160 = tpu.memref_slice %arg5[%add3A_74] : memref<344064xi32, #tpu.memory_space<hbm>> -> memref<128xi32, #tpu.memory_space<hbm>>
          %dma_wait3A_161 = tpu.memref_slice %arg5[%add3A_74] : memref<344064xi32, #tpu.memory_space<hbm>> -> memref<128xi32, #tpu.memory_space<hbm>>
          tpu.wait_dma2 semaphore(%run_scoped3A_157 : memref<!tpu.dma_semaphore, #tpu.memory_space<semaphore_mem>>) src(%dma_wait3A_161 : memref<128xi32, #tpu.memory_space<hbm>>) dst(%arg11 : memref<128xi32, #tpu.memory_space<vmem>>)
          tpu.yield
        }) : () -> ()
        %mul3A_75 = arith.constant 16 : i32
        %mul3A_76 = arith.muli %add3A_74, %mul3A_75 : i32
        "tpu.region"() ({
          %run_scoped3A_157 = tpu.sem_alloc : memref<!tpu.dma_semaphore, #tpu.memory_space<semaphore_mem>>
          %dma_start3A_158 = tpu.memref_slice %arg6[%mul3A_76] : memref<5505024xi32, #tpu.memory_space<hbm>> -> memref<2048xi32, #tpu.memory_space<hbm>>
          %dma_start3A_159 = tpu.memref_slice %arg6[%mul3A_76] : memref<5505024xi32, #tpu.memory_space<hbm>> -> memref<2048xi32, #tpu.memory_space<hbm>>
          tpu.enqueue_dma source(%dma_start3A_159 : memref<2048xi32, #tpu.memory_space<hbm>>) target(%arg16 : memref<2048xi32, #tpu.memory_space<vmem>>) target_semaphore(%run_scoped3A_157 : memref<!tpu.dma_semaphore, #tpu.memory_space<semaphore_mem>>)
          %dma_wait3A_160 = tpu.memref_slice %arg6[%mul3A_76] : memref<5505024xi32, #tpu.memory_space<hbm>> -> memref<2048xi32, #tpu.memory_space<hbm>>
          %dma_wait3A_161 = tpu.memref_slice %arg6[%mul3A_76] : memref<5505024xi32, #tpu.memory_space<hbm>> -> memref<2048xi32, #tpu.memory_space<hbm>>
          tpu.wait_dma2 semaphore(%run_scoped3A_157 : memref<!tpu.dma_semaphore, #tpu.memory_space<semaphore_mem>>) src(%dma_wait3A_161 : memref<2048xi32, #tpu.memory_space<hbm>>) dst(%arg16 : memref<2048xi32, #tpu.memory_space<vmem>>)
          tpu.yield
        }) : () -> ()
        %dma_start3A = arith.constant 0 : i32
        %dma_start3A_77 = arith.constant 0 : i32
        %dma_start3A_78 = tpu.memref_slice %arg2[%dma_start3A, %dma_start3A_77] : memref<10112x128xf32, #tpu.memory_space<hbm>> -> memref<10112x128xf32, #tpu.memory_space<hbm>>
        tpu.enqueue_indirect_dma source(%dma_start3A_78 : memref<10112x128xf32, #tpu.memory_space<hbm>>) target(%arg12 : memref<128x128xf32, #tpu.memory_space<vmem>>) offsets(%arg9 : memref<128xi32, #tpu.memory_space<vmem>>) semaphore(%arg17 : memref<!tpu.dma_semaphore, #tpu.memory_space<semaphore_mem>>)
        %dma_wait3A = arith.constant 0 : i32
        %dma_wait3A_79 = arith.constant 0 : i32
        %dma_wait3A_80 = tpu.memref_slice %arg2[%dma_wait3A, %dma_wait3A_79] : memref<10112x128xf32, #tpu.memory_space<hbm>> -> memref<10112x128xf32, #tpu.memory_space<hbm>>
        tpu.wait_indirect_dma semaphore(%arg17 : memref<!tpu.dma_semaphore, #tpu.memory_space<semaphore_mem>>) src(%dma_wait3A_80 : memref<10112x128xf32, #tpu.memory_space<hbm>>) dst(%arg12 : memref<128x128xf32, #tpu.memory_space<vmem>>)
        %scan3A_81 = arith.constant 0 : i32
        %scan3A_82 = arith.constant 0 : i32
        %scan3A_83 = arith.constant 128 : i32
        %scan3A_84 = arith.addi %scan3A_82, %scan3A_83 : i32
        %scan3A_85 = arith.constant 1 : i32
        scf.for %scan3A_157 = %scan3A_82 to %scan3A_84 step %scan3A_85  : i32 {
          %mul3A_158 = arith.constant 16 : i32
          %mul3A_159 = arith.muli %scan3A_157, %mul3A_158 : i32
          %get3A_160 = arith.index_cast %mul3A_159 : i32 to index
          %get3A_161 = tpu.vector_load %arg16[%get3A_160] {strides = array<i32>} : memref<2048xi32, #tpu.memory_space<vmem>>, vector<16xi32>,
          %iota3A = tpu.iota {dimensions = array<i32: 0>} : vector<16xi32>
          %add3A_162 = arith.constant 0 : i32
          %add3A_163 = vector.broadcast %add3A_162 : i32 to vector<16xi32>
          %add3A_164 = arith.addi %iota3A, %add3A_163 : vector<16xi32>
          %get3A_165 = arith.index_cast %scan3A_157 : i32 to index
          %get3A_166 = arith.constant 0 : index
          %get3A_167 = tpu.vector_load %arg12[%get3A_165, %get3A_166] {strides = array<i32>} : memref<128x128xf32, #tpu.memory_space<vmem>>, vector<16xf32>,
          tpu.vector_store_idx %arg13[%get3A_161, %add3A_164], %get3A_167 {add = true} : memref<128x128xf32, #tpu.memory_space<vmem>>[vector<16xi32>, vector<16xi32>], vector<16xf32>,
          %iota3A_168 = tpu.iota {dimensions = array<i32: 0>} : vector<16xi32>
          %add3A_169 = arith.constant 16 : i32
          %add3A_170 = vector.broadcast %add3A_169 : i32 to vector<16xi32>
          %add3A_171 = arith.addi %iota3A_168, %add3A_170 : vector<16xi32>
          %get3A_172 = arith.index_cast %scan3A_157 : i32 to index
          %get3A_173 = arith.constant 16 : index
          %get3A_174 = tpu.vector_load %arg12[%get3A_172, %get3A_173] {strides = array<i32>} : memref<128x128xf32, #tpu.memory_space<vmem>>, vector<16xf32>,
          tpu.vector_store_idx %arg13[%get3A_161, %add3A_171], %get3A_174 {add = true} : memref<128x128xf32, #tpu.memory_space<vmem>>[vector<16xi32>, vector<16xi32>], vector<16xf32>,
          %iota3A_175 = tpu.iota {dimensions = array<i32: 0>} : vector<16xi32>
          %add3A_176 = arith.constant 32 : i32
          %add3A_177 = vector.broadcast %add3A_176 : i32 to vector<16xi32>
          %add3A_178 = arith.addi %iota3A_175, %add3A_177 : vector<16xi32>
          %get3A_179 = arith.index_cast %scan3A_157 : i32 to index
          %get3A_180 = arith.constant 32 : index
          %get3A_181 = tpu.vector_load %arg12[%get3A_179, %get3A_180] {strides = array<i32>} : memref<128x128xf32, #tpu.memory_space<vmem>>, vector<16xf32>,
          tpu.vector_store_idx %arg13[%get3A_161, %add3A_178], %get3A_181 {add = true} : memref<128x128xf32, #tpu.memory_space<vmem>>[vector<16xi32>, vector<16xi32>], vector<16xf32>,
          %iota3A_182 = tpu.iota {dimensions = array<i32: 0>} : vector<16xi32>
          %add3A_183 = arith.constant 48 : i32
          %add3A_184 = vector.broadcast %add3A_183 : i32 to vector<16xi32>
          %add3A_185 = arith.addi %iota3A_182, %add3A_184 : vector<16xi32>
          %get3A_186 = arith.index_cast %scan3A_157 : i32 to index
          %get3A_187 = arith.constant 48 : index
          %get3A_188 = tpu.vector_load %arg12[%get3A_186, %get3A_187] {strides = array<i32>} : memref<128x128xf32, #tpu.memory_space<vmem>>, vector<16xf32>,
          tpu.vector_store_idx %arg13[%get3A_161, %add3A_185], %get3A_188 {add = true} : memref<128x128xf32, #tpu.memory_space<vmem>>[vector<16xi32>, vector<16xi32>], vector<16xf32>,
          %iota3A_189 = tpu.iota {dimensions = array<i32: 0>} : vector<16xi32>
          %add3A_190 = arith.constant 64 : i32
          %add3A_191 = vector.broadcast %add3A_190 : i32 to vector<16xi32>
          %add3A_192 = arith.addi %iota3A_189, %add3A_191 : vector<16xi32>
          %get3A_193 = arith.index_cast %scan3A_157 : i32 to index
          %get3A_194 = arith.constant 64 : index
          %get3A_195 = tpu.vector_load %arg12[%get3A_193, %get3A_194] {strides = array<i32>} : memref<128x128xf32, #tpu.memory_space<vmem>>, vector<16xf32>,
          tpu.vector_store_idx %arg13[%get3A_161, %add3A_192], %get3A_195 {add = true} : memref<128x128xf32, #tpu.memory_space<vmem>>[vector<16xi32>, vector<16xi32>], vector<16xf32>,
          %iota3A_196 = tpu.iota {dimensions = array<i32: 0>} : vector<16xi32>
          %add3A_197 = arith.constant 80 : i32
          %add3A_198 = vector.broadcast %add3A_197 : i32 to vector<16xi32>
          %add3A_199 = arith.addi %iota3A_196, %add3A_198 : vector<16xi32>
          %get3A_200 = arith.index_cast %scan3A_157 : i32 to index
          %get3A_201 = arith.constant 80 : index
          %get3A_202 = tpu.vector_load %arg12[%get3A_200, %get3A_201] {strides = array<i32>} : memref<128x128xf32, #tpu.memory_space<vmem>>, vector<16xf32>,
          tpu.vector_store_idx %arg13[%get3A_161, %add3A_199], %get3A_202 {add = true} : memref<128x128xf32, #tpu.memory_space<vmem>>[vector<16xi32>, vector<16xi32>], vector<16xf32>,
          %iota3A_203 = tpu.iota {dimensions = array<i32: 0>} : vector<16xi32>
          %add3A_204 = arith.constant 96 : i32
          %add3A_205 = vector.broadcast %add3A_204 : i32 to vector<16xi32>
          %add3A_206 = arith.addi %iota3A_203, %add3A_205 : vector<16xi32>
          %get3A_207 = arith.index_cast %scan3A_157 : i32 to index
          %get3A_208 = arith.constant 96 : index
          %get3A_209 = tpu.vector_load %arg12[%get3A_207, %get3A_208] {strides = array<i32>} : memref<128x128xf32, #tpu.memory_space<vmem>>, vector<16xf32>,
          tpu.vector_store_idx %arg13[%get3A_161, %add3A_206], %get3A_209 {add = true} : memref<128x128xf32, #tpu.memory_space<vmem>>[vector<16xi32>, vector<16xi32>], vector<16xf32>,
          %iota3A_210 = tpu.iota {dimensions = array<i32: 0>} : vector<16xi32>
          %add3A_211 = arith.constant 112 : i32
          %add3A_212 = vector.broadcast %add3A_211 : i32 to vector<16xi32>
          %add3A_213 = arith.addi %iota3A_210, %add3A_212 : vector<16xi32>
          %get3A_214 = arith.index_cast %scan3A_157 : i32 to index
          %get3A_215 = arith.constant 112 : index
          %get3A_216 = tpu.vector_load %arg12[%get3A_214, %get3A_215] {strides = array<i32>} : memref<128x128xf32, #tpu.memory_space<vmem>>, vector<16xf32>,
          tpu.vector_store_idx %arg13[%get3A_161, %add3A_213], %get3A_216 {add = true} : memref<128x128xf32, #tpu.memory_space<vmem>>[vector<16xi32>, vector<16xi32>], vector<16xf32>,
        }
        %scan3A_86 = arith.constant 128 : i32
        %get3A = arith.constant 0 : index
        %get3A_87 = tpu.vector_load %arg10[%get3A] {strides = array<i32>} : memref<128xi32, #tpu.memory_space<vmem>>, vector<16xi32>,
        %get3A_88 = arith.constant 0 : index
        %get3A_89 = tpu.vector_load %arg11[%get3A_88] {strides = array<i32>} : memref<128xi32, #tpu.memory_space<vmem>>, vector<16xi32>,
        %broadcast_in_dim3A_90 = arith.constant 0 : i32
        %broadcast_in_dim3A_91 = vector.broadcast %broadcast_in_dim3A_90 : i32 to vector<16xi32>
        %ge3A = arith.cmpi sge, %get3A_89, %broadcast_in_dim3A_91 : vector<16xi32>
        %broadcast_in_dim3A_92 = arith.constant 0 : i32
        %broadcast_in_dim3A_93 = vector.broadcast %broadcast_in_dim3A_92 : i32 to vector<16xi32>
        tpu.vector_store_idx %arg14[%broadcast_in_dim3A_93, %get3A_87], %get3A_89 masked %ge3A : memref<1x128xi32, #tpu.memory_space<vmem>>[vector<16xi32>, vector<16xi32>], vector<16xi32>, vector<16xi1>
        %get3A_94 = arith.constant 16 : index
        %get3A_95 = tpu.vector_load %arg10[%get3A_94] {strides = array<i32>} : memref<128xi32, #tpu.memory_space<vmem>>, vector<16xi32>,
        %get3A_96 = arith.constant 16 : index
        %get3A_97 = tpu.vector_load %arg11[%get3A_96] {strides = array<i32>} : memref<128xi32, #tpu.memory_space<vmem>>, vector<16xi32>,
        %broadcast_in_dim3A_98 = arith.constant 0 : i32
        %broadcast_in_dim3A_99 = vector.broadcast %broadcast_in_dim3A_98 : i32 to vector<16xi32>
        %ge3A_100 = arith.cmpi sge, %get3A_97, %broadcast_in_dim3A_99 : vector<16xi32>
        %broadcast_in_dim3A_101 = arith.constant 0 : i32
        %broadcast_in_dim3A_102 = vector.broadcast %broadcast_in_dim3A_101 : i32 to vector<16xi32>
        tpu.vector_store_idx %arg14[%broadcast_in_dim3A_102, %get3A_95], %get3A_97 masked %ge3A_100 : memref<1x128xi32, #tpu.memory_space<vmem>>[vector<16xi32>, vector<16xi32>], vector<16xi32>, vector<16xi1>
        %get3A_103 = arith.constant 32 : index
        %get3A_104 = tpu.vector_load %arg10[%get3A_103] {strides = array<i32>} : memref<128xi32, #tpu.memory_space<vmem>>, vector<16xi32>,
        %get3A_105 = arith.constant 32 : index
        %get3A_106 = tpu.vector_load %arg11[%get3A_105] {strides = array<i32>} : memref<128xi32, #tpu.memory_space<vmem>>, vector<16xi32>,
        %broadcast_in_dim3A_107 = arith.constant 0 : i32
        %broadcast_in_dim3A_108 = vector.broadcast %broadcast_in_dim3A_107 : i32 to vector<16xi32>
        %ge3A_109 = arith.cmpi sge, %get3A_106, %broadcast_in_dim3A_108 : vector<16xi32>
        %broadcast_in_dim3A_110 = arith.constant 0 : i32
        %broadcast_in_dim3A_111 = vector.broadcast %broadcast_in_dim3A_110 : i32 to vector<16xi32>
        tpu.vector_store_idx %arg14[%broadcast_in_dim3A_111, %get3A_104], %get3A_106 masked %ge3A_109 : memref<1x128xi32, #tpu.memory_space<vmem>>[vector<16xi32>, vector<16xi32>], vector<16xi32>, vector<16xi1>
        %get3A_112 = arith.constant 48 : index
        %get3A_113 = tpu.vector_load %arg10[%get3A_112] {strides = array<i32>} : memref<128xi32, #tpu.memory_space<vmem>>, vector<16xi32>,
        %get3A_114 = arith.constant 48 : index
        %get3A_115 = tpu.vector_load %arg11[%get3A_114] {strides = array<i32>} : memref<128xi32, #tpu.memory_space<vmem>>, vector<16xi32>,
        %broadcast_in_dim3A_116 = arith.constant 0 : i32
        %broadcast_in_dim3A_117 = vector.broadcast %broadcast_in_dim3A_116 : i32 to vector<16xi32>
        %ge3A_118 = arith.cmpi sge, %get3A_115, %broadcast_in_dim3A_117 : vector<16xi32>
        %broadcast_in_dim3A_119 = arith.constant 0 : i32
        %broadcast_in_dim3A_120 = vector.broadcast %broadcast_in_dim3A_119 : i32 to vector<16xi32>
        tpu.vector_store_idx %arg14[%broadcast_in_dim3A_120, %get3A_113], %get3A_115 masked %ge3A_118 : memref<1x128xi32, #tpu.memory_space<vmem>>[vector<16xi32>, vector<16xi32>], vector<16xi32>, vector<16xi1>
        %get3A_121 = arith.constant 64 : index
        %get3A_122 = tpu.vector_load %arg10[%get3A_121] {strides = array<i32>} : memref<128xi32, #tpu.memory_space<vmem>>, vector<16xi32>,
        %get3A_123 = arith.constant 64 : index
        %get3A_124 = tpu.vector_load %arg11[%get3A_123] {strides = array<i32>} : memref<128xi32, #tpu.memory_space<vmem>>, vector<16xi32>,
        %broadcast_in_dim3A_125 = arith.constant 0 : i32
        %broadcast_in_dim3A_126 = vector.broadcast %broadcast_in_dim3A_125 : i32 to vector<16xi32>
        %ge3A_127 = arith.cmpi sge, %get3A_124, %broadcast_in_dim3A_126 : vector<16xi32>
        %broadcast_in_dim3A_128 = arith.constant 0 : i32
        %broadcast_in_dim3A_129 = vector.broadcast %broadcast_in_dim3A_128 : i32 to vector<16xi32>
        tpu.vector_store_idx %arg14[%broadcast_in_dim3A_129, %get3A_122], %get3A_124 masked %ge3A_127 : memref<1x128xi32, #tpu.memory_space<vmem>>[vector<16xi32>, vector<16xi32>], vector<16xi32>, vector<16xi1>
        %get3A_130 = arith.constant 80 : index
        %get3A_131 = tpu.vector_load %arg10[%get3A_130] {strides = array<i32>} : memref<128xi32, #tpu.memory_space<vmem>>, vector<16xi32>,
        %get3A_132 = arith.constant 80 : index
        %get3A_133 = tpu.vector_load %arg11[%get3A_132] {strides = array<i32>} : memref<128xi32, #tpu.memory_space<vmem>>, vector<16xi32>,
        %broadcast_in_dim3A_134 = arith.constant 0 : i32
        %broadcast_in_dim3A_135 = vector.broadcast %broadcast_in_dim3A_134 : i32 to vector<16xi32>
        %ge3A_136 = arith.cmpi sge, %get3A_133, %broadcast_in_dim3A_135 : vector<16xi32>
        %broadcast_in_dim3A_137 = arith.constant 0 : i32
        %broadcast_in_dim3A_138 = vector.broadcast %broadcast_in_dim3A_137 : i32 to vector<16xi32>
        tpu.vector_store_idx %arg14[%broadcast_in_dim3A_138, %get3A_131], %get3A_133 masked %ge3A_136 : memref<1x128xi32, #tpu.memory_space<vmem>>[vector<16xi32>, vector<16xi32>], vector<16xi32>, vector<16xi1>
        %get3A_139 = arith.constant 96 : index
        %get3A_140 = tpu.vector_load %arg10[%get3A_139] {strides = array<i32>} : memref<128xi32, #tpu.memory_space<vmem>>, vector<16xi32>,
        %get3A_141 = arith.constant 96 : index
        %get3A_142 = tpu.vector_load %arg11[%get3A_141] {strides = array<i32>} : memref<128xi32, #tpu.memory_space<vmem>>, vector<16xi32>,
        %broadcast_in_dim3A_143 = arith.constant 0 : i32
        %broadcast_in_dim3A_144 = vector.broadcast %broadcast_in_dim3A_143 : i32 to vector<16xi32>
        %ge3A_145 = arith.cmpi sge, %get3A_142, %broadcast_in_dim3A_144 : vector<16xi32>
        %broadcast_in_dim3A_146 = arith.constant 0 : i32
        %broadcast_in_dim3A_147 = vector.broadcast %broadcast_in_dim3A_146 : i32 to vector<16xi32>
        tpu.vector_store_idx %arg14[%broadcast_in_dim3A_147, %get3A_140], %get3A_142 masked %ge3A_145 : memref<1x128xi32, #tpu.memory_space<vmem>>[vector<16xi32>, vector<16xi32>], vector<16xi32>, vector<16xi1>
        %get3A_148 = arith.constant 112 : index
        %get3A_149 = tpu.vector_load %arg10[%get3A_148] {strides = array<i32>} : memref<128xi32, #tpu.memory_space<vmem>>, vector<16xi32>,
        %get3A_150 = arith.constant 112 : index
        %get3A_151 = tpu.vector_load %arg11[%get3A_150] {strides = array<i32>} : memref<128xi32, #tpu.memory_space<vmem>>, vector<16xi32>,
        %broadcast_in_dim3A_152 = arith.constant 0 : i32
        %broadcast_in_dim3A_153 = vector.broadcast %broadcast_in_dim3A_152 : i32 to vector<16xi32>
        %ge3A_154 = arith.cmpi sge, %get3A_151, %broadcast_in_dim3A_153 : vector<16xi32>
        %broadcast_in_dim3A_155 = arith.constant 0 : i32
        %broadcast_in_dim3A_156 = vector.broadcast %broadcast_in_dim3A_155 : i32 to vector<16xi32>
        tpu.vector_store_idx %arg14[%broadcast_in_dim3A_156, %get3A_149], %get3A_151 masked %ge3A_154 : memref<1x128xi32, #tpu.memory_space<vmem>>[vector<16xi32>, vector<16xi32>], vector<16xi32>, vector<16xi1>
      }
      %scan3A_70 = arith.constant 21 : i32
      %run_scoped3A = arith.constant 0 : i32
      "tpu.region"() ({
        %run_scoped3A_71 = tpu.sem_alloc : memref<!tpu.dma_semaphore, #tpu.memory_space<semaphore_mem>>
        %dma_start3A = arith.constant 0 : i32
        %dma_start3A_72 = tpu.memref_slice %arg14[%run_scoped3A, %dma_start3A] : memref<1x128xi32, #tpu.memory_space<vmem>> -> memref<1x128xi32, #tpu.memory_space<vmem>>
        %dma_start3A_73 = tpu.memref_squeeze %dma_start3A_72 : memref<1x128xi32, #tpu.memory_space<vmem>> -> memref<128xi32, #tpu.memory_space<vmem>>
        %dma_start3A_74 = arith.constant 0 : i32
        %dma_start3A_75 = arith.constant 0 : i32
        %dma_start3A_76 = tpu.memref_slice %arg15[%dma_start3A_74, %dma_start3A_75] : memref<10112x128xf32, #tpu.memory_space<vmem_shared>> -> memref<10112x128xf32, #tpu.memory_space<vmem_shared>>
        tpu.enqueue_indirect_dma source(%arg13 : memref<128x128xf32, #tpu.memory_space<vmem>>) target(%dma_start3A_76 : memref<10112x128xf32, #tpu.memory_space<vmem_shared>>) offsets(%dma_start3A_73 : memref<128xi32, #tpu.memory_space<vmem>>) semaphore(%run_scoped3A_71 : memref<!tpu.dma_semaphore, #tpu.memory_space<semaphore_mem>>) {add = true}
        %dma_wait3A = arith.constant 0 : i32
        %dma_wait3A_77 = tpu.memref_slice %arg14[%run_scoped3A, %dma_wait3A] : memref<1x128xi32, #tpu.memory_space<vmem>> -> memref<1x128xi32, #tpu.memory_space<vmem>>
        %dma_wait3A_78 = tpu.memref_squeeze %dma_wait3A_77 : memref<1x128xi32, #tpu.memory_space<vmem>> -> memref<128xi32, #tpu.memory_space<vmem>>
        %dma_wait3A_79 = arith.constant 0 : i32
        %dma_wait3A_80 = arith.constant 0 : i32
        %dma_wait3A_81 = tpu.memref_slice %arg15[%dma_wait3A_79, %dma_wait3A_80] : memref<10112x128xf32, #tpu.memory_space<vmem_shared>> -> memref<10112x128xf32, #tpu.memory_space<vmem_shared>>
        tpu.wait_indirect_dma semaphore(%run_scoped3A_71 : memref<!tpu.dma_semaphore, #tpu.memory_space<semaphore_mem>>) src(%arg13 : memref<128x128xf32, #tpu.memory_space<vmem>>) dst(%dma_wait3A_81 : memref<10112x128xf32, #tpu.memory_space<vmem_shared>>)
        tpu.yield
      }) : () -> ()
    }
    %scan3A_7 = arith.constant 4 : i32
    %barrier3A_8 = arith.constant 0 : index
    tpu.barrier barrier_id(%barrier3A_8)
    %mul3A_9 = arith.constant 632 : i32
    %mul3A_10 = arith.muli %arg1, %mul3A_9 : i32
    %mul3A_11 = arith.constant 632 : i32
    %mul3A_12 = arith.muli %arg1, %mul3A_11 : i32
    "tpu.region"() ({
      %run_scoped3A = tpu.sem_alloc : memref<!tpu.dma_semaphore, #tpu.memory_space<semaphore_mem>>
      %dma_start3A = arith.constant 0 : i32
      %dma_start3A_13 = tpu.memref_slice %arg8[%arg0, %mul3A_12, %dma_start3A] : memref<2x10112x128xf32, #tpu.memory_space<hbm>> -> memref<1x632x128xf32, #tpu.memory_space<hbm>>
      %dma_start3A_14 = tpu.memref_squeeze %dma_start3A_13 : memref<1x632x128xf32, #tpu.memory_space<hbm>> -> memref<632x128xf32, #tpu.memory_space<hbm>>
      %dma_start3A_15 = arith.constant 0 : i32
      %dma_start3A_16 = tpu.memref_slice %arg15[%mul3A_10, %dma_start3A_15] : memref<10112x128xf32, #tpu.memory_space<vmem_shared>> -> memref<632x128xf32, #tpu.memory_space<vmem_shared>>
      tpu.enqueue_dma source(%dma_start3A_16 : memref<632x128xf32, #tpu.memory_space<vmem_shared>>) target(%dma_start3A_14 : memref<632x128xf32, #tpu.memory_space<hbm>>) target_semaphore(%run_scoped3A : memref<!tpu.dma_semaphore, #tpu.memory_space<semaphore_mem>>)
      %dma_wait3A = arith.constant 0 : i32
      %dma_wait3A_17 = tpu.memref_slice %arg8[%arg0, %mul3A_12, %dma_wait3A] : memref<2x10112x128xf32, #tpu.memory_space<hbm>> -> memref<1x632x128xf32, #tpu.memory_space<hbm>>
      %dma_wait3A_18 = tpu.memref_squeeze %dma_wait3A_17 : memref<1x632x128xf32, #tpu.memory_space<hbm>> -> memref<632x128xf32, #tpu.memory_space<hbm>>
      %dma_wait3A_19 = arith.constant 0 : i32
      %dma_wait3A_20 = tpu.memref_slice %arg15[%mul3A_10, %dma_wait3A_19] : memref<10112x128xf32, #tpu.memory_space<vmem_shared>> -> memref<632x128xf32, #tpu.memory_space<vmem_shared>>
      tpu.wait_dma2 semaphore(%run_scoped3A : memref<!tpu.dma_semaphore, #tpu.memory_space<semaphore_mem>>) src(%dma_wait3A_20 : memref<632x128xf32, #tpu.memory_space<vmem_shared>>) dst(%dma_wait3A_18 : memref<632x128xf32, #tpu.memory_space<hbm>>)
      tpu.yield
    }) : () -> ()
    return
  }
}

#map = affine_map<(d0, d1) -> (0, 0)>
#map1 = affine_map<(d0, d1) -> (0)>
#map2 = affine_map<(d0, d1) -> (0, 0, 0)>
module attributes {stable_mosaic.version = 14 : i64} {
  func.func @_agg_body(%arg0: i32, %arg1: i32, %arg2: memref<10112x128xf32, #tpu.memory_space<hbm>>, %arg3: memref<344064xi32, #tpu.memory_space<hbm>>, %arg4: memref<344064xi32, #tpu.memory_space<hbm>>, %arg5: memref<344064xi32, #tpu.memory_space<hbm>>, %arg6: memref<5505024xi32, #tpu.memory_space<hbm>>, %arg7: memref<632x128xf32, #tpu.memory_space<hbm>>, %arg8: memref<2x10112x128xf32, #tpu.memory_space<hbm>>, %arg9: memref<128xi32, #tpu.memory_space<vmem>>, %arg10: memref<128xi32, #tpu.memory_space<vmem>>, %arg11: memref<128xi32, #tpu.memory_space<vmem>>, %arg12: memref<128x128xf32, #tpu.memory_space<vmem>>, %arg13: memref<128x128xf32, #tpu.memory_space<vmem>>, %arg14: memref<1x128xi32, #tpu.memory_space<vmem>>, %arg15: memref<10112x128xf32, #tpu.memory_space<vmem_shared>>, %arg16: memref<2048xi32, #tpu.memory_space<vmem>>, %arg17: memref<!tpu.dma_semaphore, #tpu.memory_space<semaphore_mem>>) attributes {dimension_semantics = [#tpu.dimension_semantics<core_parallel>, #tpu.dimension_semantics<subcore_parallel>], iteration_bounds = array<i64: 2, 16>, scalar_prefetch = 0 : i64, scratch_operands = 9 : i64, tpu.core_type = #tpu.core_type<sc_vector_subcore>, window_params = [{transform_indices = #map}, {transform_indices = #map1}, {transform_indices = #map1}, {transform_indices = #map1}, {transform_indices = #map1}, {transform_indices = #map}, {transform_indices = #map2}]} {
    %mul3A = arith.constant 16 : i32
    %mul3A_0 = arith.muli %arg0, %mul3A : i32
    %add3A = arith.addi %mul3A_0, %arg1 : i32
    %mul3A_1 = arith.constant 632 : i32
    %mul3A_2 = arith.muli %arg1, %mul3A_1 : i32
    "tpu.region"() ({
      %run_scoped3A = tpu.sem_alloc : memref<!tpu.dma_semaphore, #tpu.memory_space<semaphore_mem>>
      %dma_start3A = arith.constant 0 : i32
      %dma_start3A_13 = tpu.memref_slice %arg15[%mul3A_2, %dma_start3A] : memref<10112x128xf32, #tpu.memory_space<vmem_shared>> -> memref<632x128xf32, #tpu.memory_space<vmem_shared>>
      tpu.enqueue_dma source(%arg7 : memref<632x128xf32, #tpu.memory_space<hbm>>) target(%dma_start3A_13 : memref<632x128xf32, #tpu.memory_space<vmem_shared>>) target_semaphore(%run_scoped3A : memref<!tpu.dma_semaphore, #tpu.memory_space<semaphore_mem>>)
      %dma_wait3A = arith.constant 0 : i32
      %dma_wait3A_14 = tpu.memref_slice %arg15[%mul3A_2, %dma_wait3A] : memref<10112x128xf32, #tpu.memory_space<vmem_shared>> -> memref<632x128xf32, #tpu.memory_space<vmem_shared>>
      tpu.wait_dma2 semaphore(%run_scoped3A : memref<!tpu.dma_semaphore, #tpu.memory_space<semaphore_mem>>) src(%arg7 : memref<632x128xf32, #tpu.memory_space<hbm>>) dst(%dma_wait3A_14 : memref<632x128xf32, #tpu.memory_space<vmem_shared>>)
      tpu.yield
    }) : () -> ()
    %barrier3A = arith.constant 0 : index
    tpu.barrier barrier_id(%barrier3A)
    %scan3A = arith.constant 0 : i32
    %scan3A_3 = arith.constant 0 : i32
    %scan3A_4 = arith.constant 4 : i32
    %scan3A_5 = arith.addi %scan3A_3, %scan3A_4 : i32
    %scan3A_6 = arith.constant 1 : i32
    scf.for %scan3A_13 = %scan3A_3 to %scan3A_5 step %scan3A_6  : i32 {
      "tpu.region"() ({
        %run_scoped3A_71 = tpu.sem_alloc : memref<!tpu.dma_semaphore, #tpu.memory_space<semaphore_mem>>
        %dma_start3A = arith.constant 0 : i32
        %dma_start3A_72 = arith.constant 0 : i32
        %dma_start3A_73 = tpu.memref_slice %arg7[%dma_start3A, %dma_start3A_72] : memref<632x128xf32, #tpu.memory_space<hbm>> -> memref<128x128xf32, #tpu.memory_space<hbm>>
        %dma_start3A_74 = arith.constant 0 : i32
        %dma_start3A_75 = arith.constant 0 : i32
        %dma_start3A_76 = tpu.memref_slice %arg7[%dma_start3A_74, %dma_start3A_75] : memref<632x128xf32, #tpu.memory_space<hbm>> -> memref<128x128xf32, #tpu.memory_space<hbm>>
        tpu.enqueue_dma source(%dma_start3A_76 : memref<128x128xf32, #tpu.memory_space<hbm>>) target(%arg13 : memref<128x128xf32, #tpu.memory_space<vmem>>) target_semaphore(%run_scoped3A_71 : memref<!tpu.dma_semaphore, #tpu.memory_space<semaphore_mem>>)
        %dma_wait3A = arith.constant 0 : i32
        %dma_wait3A_77 = arith.constant 0 : i32
        %dma_wait3A_78 = tpu.memref_slice %arg7[%dma_wait3A, %dma_wait3A_77] : memref<632x128xf32, #tpu.memory_space<hbm>> -> memref<128x128xf32, #tpu.memory_space<hbm>>
        %dma_wait3A_79 = arith.constant 0 : i32
        %dma_wait3A_80 = arith.constant 0 : i32
        %dma_wait3A_81 = tpu.memref_slice %arg7[%dma_wait3A_79, %dma_wait3A_80] : memref<632x128xf32, #tpu.memory_space<hbm>> -> memref<128x128xf32, #tpu.memory_space<hbm>>
        tpu.wait_dma2 semaphore(%run_scoped3A_71 : memref<!tpu.dma_semaphore, #tpu.memory_space<semaphore_mem>>) src(%dma_wait3A_81 : memref<128x128xf32, #tpu.memory_space<hbm>>) dst(%arg13 : memref<128x128xf32, #tpu.memory_space<vmem>>)
        tpu.yield
      }) : () -> ()
      %broadcast_in_dim3A = arith.constant 10000 : i32
      %broadcast_in_dim3A_14 = vector.broadcast %broadcast_in_dim3A : i32 to vector<16xi32>
      %swap3A = arith.constant 0 : i32
      %swap3A_15 = arith.index_cast %swap3A : i32 to index
      %swap3A_16 = arith.constant 0 : index
      %swap3A_17 = tpu.vector_load %arg14[%swap3A_15, %swap3A_16] {strides = array<i32>} : memref<1x128xi32, #tpu.memory_space<vmem>>, vector<16xi32>,
      tpu.vector_store %arg14[%swap3A_15, %swap3A_16], %broadcast_in_dim3A_14 {strides = array<i32>} : memref<1x128xi32, #tpu.memory_space<vmem>>, vector<16xi32>,
      %broadcast_in_dim3A_18 = arith.constant 10013 : i32
      %broadcast_in_dim3A_19 = vector.broadcast %broadcast_in_dim3A_18 : i32 to vector<16xi32>
      %swap3A_20 = arith.constant 0 : i32
      %swap3A_21 = arith.index_cast %swap3A_20 : i32 to index
      %swap3A_22 = arith.constant 16 : index
      %swap3A_23 = tpu.vector_load %arg14[%swap3A_21, %swap3A_22] {strides = array<i32>} : memref<1x128xi32, #tpu.memory_space<vmem>>, vector<16xi32>,
      tpu.vector_store %arg14[%swap3A_21, %swap3A_22], %broadcast_in_dim3A_19 {strides = array<i32>} : memref<1x128xi32, #tpu.memory_space<vmem>>, vector<16xi32>,
      %broadcast_in_dim3A_24 = arith.constant 10026 : i32
      %broadcast_in_dim3A_25 = vector.broadcast %broadcast_in_dim3A_24 : i32 to vector<16xi32>
      %swap3A_26 = arith.constant 0 : i32
      %swap3A_27 = arith.index_cast %swap3A_26 : i32 to index
      %swap3A_28 = arith.constant 32 : index
      %swap3A_29 = tpu.vector_load %arg14[%swap3A_27, %swap3A_28] {strides = array<i32>} : memref<1x128xi32, #tpu.memory_space<vmem>>, vector<16xi32>,
      tpu.vector_store %arg14[%swap3A_27, %swap3A_28], %broadcast_in_dim3A_25 {strides = array<i32>} : memref<1x128xi32, #tpu.memory_space<vmem>>, vector<16xi32>,
      %broadcast_in_dim3A_30 = arith.constant 10039 : i32
      %broadcast_in_dim3A_31 = vector.broadcast %broadcast_in_dim3A_30 : i32 to vector<16xi32>
      %swap3A_32 = arith.constant 0 : i32
      %swap3A_33 = arith.index_cast %swap3A_32 : i32 to index
      %swap3A_34 = arith.constant 48 : index
      %swap3A_35 = tpu.vector_load %arg14[%swap3A_33, %swap3A_34] {strides = array<i32>} : memref<1x128xi32, #tpu.memory_space<vmem>>, vector<16xi32>,
      tpu.vector_store %arg14[%swap3A_33, %swap3A_34], %broadcast_in_dim3A_31 {strides = array<i32>} : memref<1x128xi32, #tpu.memory_space<vmem>>, vector<16xi32>,
      %broadcast_in_dim3A_36 = arith.constant 10052 : i32
      %broadcast_in_dim3A_37 = vector.broadcast %broadcast_in_dim3A_36 : i32 to vector<16xi32>
      %swap3A_38 = arith.constant 0 : i32
      %swap3A_39 = arith.index_cast %swap3A_38 : i32 to index
      %swap3A_40 = arith.constant 64 : index
      %swap3A_41 = tpu.vector_load %arg14[%swap3A_39, %swap3A_40] {strides = array<i32>} : memref<1x128xi32, #tpu.memory_space<vmem>>, vector<16xi32>,
      tpu.vector_store %arg14[%swap3A_39, %swap3A_40], %broadcast_in_dim3A_37 {strides = array<i32>} : memref<1x128xi32, #tpu.memory_space<vmem>>, vector<16xi32>,
      %broadcast_in_dim3A_42 = arith.constant 10065 : i32
      %broadcast_in_dim3A_43 = vector.broadcast %broadcast_in_dim3A_42 : i32 to vector<16xi32>
      %swap3A_44 = arith.constant 0 : i32
      %swap3A_45 = arith.index_cast %swap3A_44 : i32 to index
      %swap3A_46 = arith.constant 80 : index
      %swap3A_47 = tpu.vector_load %arg14[%swap3A_45, %swap3A_46] {strides = array<i32>} : memref<1x128xi32, #tpu.memory_space<vmem>>, vector<16xi32>,
      tpu.vector_store %arg14[%swap3A_45, %swap3A_46], %broadcast_in_dim3A_43 {strides = array<i32>} : memref<1x128xi32, #tpu.memory_space<vmem>>, vector<16xi32>,
      %broadcast_in_dim3A_48 = arith.constant 10078 : i32
      %broadcast_in_dim3A_49 = vector.broadcast %broadcast_in_dim3A_48 : i32 to vector<16xi32>
      %swap3A_50 = arith.constant 0 : i32
      %swap3A_51 = arith.index_cast %swap3A_50 : i32 to index
      %swap3A_52 = arith.constant 96 : index
      %swap3A_53 = tpu.vector_load %arg14[%swap3A_51, %swap3A_52] {strides = array<i32>} : memref<1x128xi32, #tpu.memory_space<vmem>>, vector<16xi32>,
      tpu.vector_store %arg14[%swap3A_51, %swap3A_52], %broadcast_in_dim3A_49 {strides = array<i32>} : memref<1x128xi32, #tpu.memory_space<vmem>>, vector<16xi32>,
      %broadcast_in_dim3A_54 = arith.constant 10091 : i32
      %broadcast_in_dim3A_55 = vector.broadcast %broadcast_in_dim3A_54 : i32 to vector<16xi32>
      %swap3A_56 = arith.constant 0 : i32
      %swap3A_57 = arith.index_cast %swap3A_56 : i32 to index
      %swap3A_58 = arith.constant 112 : index
      %swap3A_59 = tpu.vector_load %arg14[%swap3A_57, %swap3A_58] {strides = array<i32>} : memref<1x128xi32, #tpu.memory_space<vmem>>, vector<16xi32>,
      tpu.vector_store %arg14[%swap3A_57, %swap3A_58], %broadcast_in_dim3A_55 {strides = array<i32>} : memref<1x128xi32, #tpu.memory_space<vmem>>, vector<16xi32>,
      %mul3A_60 = arith.constant 10752 : i32
      %mul3A_61 = arith.muli %add3A, %mul3A_60 : i32
      %mul3A_62 = arith.constant 2688 : i32
      %mul3A_63 = arith.muli %scan3A_13, %mul3A_62 : i32
      %add3A_64 = arith.addi %mul3A_61, %mul3A_63 : i32
      %scan3A_65 = arith.constant 0 : i32
      %scan3A_66 = arith.constant 0 : i32
      %scan3A_67 = arith.constant 21 : i32
      %scan3A_68 = arith.addi %scan3A_66, %scan3A_67 : i32
      %scan3A_69 = arith.constant 1 : i32
      scf.for %scan3A_71 = %scan3A_66 to %scan3A_68 step %scan3A_69  : i32 {
        %mul3A_72 = arith.constant 128 : i32
        %mul3A_73 = arith.muli %scan3A_71, %mul3A_72 : i32
        %add3A_74 = arith.addi %add3A_64, %mul3A_73 : i32
        "tpu.region"() ({
          %run_scoped3A_157 = tpu.sem_alloc : memref<!tpu.dma_semaphore, #tpu.memory_space<semaphore_mem>>
          %dma_start3A_158 = tpu.memref_slice %arg3[%add3A_74] : memref<344064xi32, #tpu.memory_space<hbm>> -> memref<128xi32, #tpu.memory_space<hbm>>
          %dma_start3A_159 = tpu.memref_slice %arg3[%add3A_74] : memref<344064xi32, #tpu.memory_space<hbm>> -> memref<128xi32, #tpu.memory_space<hbm>>
          tpu.enqueue_dma source(%dma_start3A_159 : memref<128xi32, #tpu.memory_space<hbm>>) target(%arg9 : memref<128xi32, #tpu.memory_space<vmem>>) target_semaphore(%run_scoped3A_157 : memref<!tpu.dma_semaphore, #tpu.memory_space<semaphore_mem>>)
          %dma_wait3A_160 = tpu.memref_slice %arg3[%add3A_74] : memref<344064xi32, #tpu.memory_space<hbm>> -> memref<128xi32, #tpu.memory_space<hbm>>
          %dma_wait3A_161 = tpu.memref_slice %arg3[%add3A_74] : memref<344064xi32, #tpu.memory_space<hbm>> -> memref<128xi32, #tpu.memory_space<hbm>>
          tpu.wait_dma2 semaphore(%run_scoped3A_157 : memref<!tpu.dma_semaphore, #tpu.memory_space<semaphore_mem>>) src(%dma_wait3A_161 : memref<128xi32, #tpu.memory_space<hbm>>) dst(%arg9 : memref<128xi32, #tpu.memory_space<vmem>>)
          tpu.yield
        }) : () -> ()
        "tpu.region"() ({
          %run_scoped3A_157 = tpu.sem_alloc : memref<!tpu.dma_semaphore, #tpu.memory_space<semaphore_mem>>
          %dma_start3A_158 = tpu.memref_slice %arg4[%add3A_74] : memref<344064xi32, #tpu.memory_space<hbm>> -> memref<128xi32, #tpu.memory_space<hbm>>
          %dma_start3A_159 = tpu.memref_slice %arg4[%add3A_74] : memref<344064xi32, #tpu.memory_space<hbm>> -> memref<128xi32, #tpu.memory_space<hbm>>
          tpu.enqueue_dma source(%dma_start3A_159 : memref<128xi32, #tpu.memory_space<hbm>>) target(%arg10 : memref<128xi32, #tpu.memory_space<vmem>>) target_semaphore(%run_scoped3A_157 : memref<!tpu.dma_semaphore, #tpu.memory_space<semaphore_mem>>)
          %dma_wait3A_160 = tpu.memref_slice %arg4[%add3A_74] : memref<344064xi32, #tpu.memory_space<hbm>> -> memref<128xi32, #tpu.memory_space<hbm>>
          %dma_wait3A_161 = tpu.memref_slice %arg4[%add3A_74] : memref<344064xi32, #tpu.memory_space<hbm>> -> memref<128xi32, #tpu.memory_space<hbm>>
          tpu.wait_dma2 semaphore(%run_scoped3A_157 : memref<!tpu.dma_semaphore, #tpu.memory_space<semaphore_mem>>) src(%dma_wait3A_161 : memref<128xi32, #tpu.memory_space<hbm>>) dst(%arg10 : memref<128xi32, #tpu.memory_space<vmem>>)
          tpu.yield
        }) : () -> ()
        "tpu.region"() ({
          %run_scoped3A_157 = tpu.sem_alloc : memref<!tpu.dma_semaphore, #tpu.memory_space<semaphore_mem>>
          %dma_start3A_158 = tpu.memref_slice %arg5[%add3A_74] : memref<344064xi32, #tpu.memory_space<hbm>> -> memref<128xi32, #tpu.memory_space<hbm>>
          %dma_start3A_159 = tpu.memref_slice %arg5[%add3A_74] : memref<344064xi32, #tpu.memory_space<hbm>> -> memref<128xi32, #tpu.memory_space<hbm>>
          tpu.enqueue_dma source(%dma_start3A_159 : memref<128xi32, #tpu.memory_space<hbm>>) target(%arg11 : memref<128xi32, #tpu.memory_space<vmem>>) target_semaphore(%run_scoped3A_157 : memref<!tpu.dma_semaphore, #tpu.memory_space<semaphore_mem>>)
          %dma_wait3A_160 = tpu.memref_slice %arg5[%add3A_74] : memref<344064xi32, #tpu.memory_space<hbm>> -> memref<128xi32, #tpu.memory_space<hbm>>
          %dma_wait3A_161 = tpu.memref_slice %arg5[%add3A_74] : memref<344064xi32, #tpu.memory_space<hbm>> -> memref<128xi32, #tpu.memory_space<hbm>>
          tpu.wait_dma2 semaphore(%run_scoped3A_157 : memref<!tpu.dma_semaphore, #tpu.memory_space<semaphore_mem>>) src(%dma_wait3A_161 : memref<128xi32, #tpu.memory_space<hbm>>) dst(%arg11 : memref<128xi32, #tpu.memory_space<vmem>>)
          tpu.yield
        }) : () -> ()
        %mul3A_75 = arith.constant 16 : i32
        %mul3A_76 = arith.muli %add3A_74, %mul3A_75 : i32
        "tpu.region"() ({
          %run_scoped3A_157 = tpu.sem_alloc : memref<!tpu.dma_semaphore, #tpu.memory_space<semaphore_mem>>
          %dma_start3A_158 = tpu.memref_slice %arg6[%mul3A_76] : memref<5505024xi32, #tpu.memory_space<hbm>> -> memref<2048xi32, #tpu.memory_space<hbm>>
          %dma_start3A_159 = tpu.memref_slice %arg6[%mul3A_76] : memref<5505024xi32, #tpu.memory_space<hbm>> -> memref<2048xi32, #tpu.memory_space<hbm>>
          tpu.enqueue_dma source(%dma_start3A_159 : memref<2048xi32, #tpu.memory_space<hbm>>) target(%arg16 : memref<2048xi32, #tpu.memory_space<vmem>>) target_semaphore(%run_scoped3A_157 : memref<!tpu.dma_semaphore, #tpu.memory_space<semaphore_mem>>)
          %dma_wait3A_160 = tpu.memref_slice %arg6[%mul3A_76] : memref<5505024xi32, #tpu.memory_space<hbm>> -> memref<2048xi32, #tpu.memory_space<hbm>>
          %dma_wait3A_161 = tpu.memref_slice %arg6[%mul3A_76] : memref<5505024xi32, #tpu.memory_space<hbm>> -> memref<2048xi32, #tpu.memory_space<hbm>>
          tpu.wait_dma2 semaphore(%run_scoped3A_157 : memref<!tpu.dma_semaphore, #tpu.memory_space<semaphore_mem>>) src(%dma_wait3A_161 : memref<2048xi32, #tpu.memory_space<hbm>>) dst(%arg16 : memref<2048xi32, #tpu.memory_space<vmem>>)
          tpu.yield
        }) : () -> ()
        %dma_start3A = arith.constant 0 : i32
        %dma_start3A_77 = arith.constant 0 : i32
        %dma_start3A_78 = tpu.memref_slice %arg2[%dma_start3A, %dma_start3A_77] : memref<10112x128xf32, #tpu.memory_space<hbm>> -> memref<10112x128xf32, #tpu.memory_space<hbm>>
        tpu.enqueue_indirect_dma source(%dma_start3A_78 : memref<10112x128xf32, #tpu.memory_space<hbm>>) target(%arg12 : memref<128x128xf32, #tpu.memory_space<vmem>>) offsets(%arg9 : memref<128xi32, #tpu.memory_space<vmem>>) semaphore(%arg17 : memref<!tpu.dma_semaphore, #tpu.memory_space<semaphore_mem>>)
        %dma_wait3A = arith.constant 0 : i32
        %dma_wait3A_79 = arith.constant 0 : i32
        %dma_wait3A_80 = tpu.memref_slice %arg2[%dma_wait3A, %dma_wait3A_79] : memref<10112x128xf32, #tpu.memory_space<hbm>> -> memref<10112x128xf32, #tpu.memory_space<hbm>>
        tpu.wait_indirect_dma semaphore(%arg17 : memref<!tpu.dma_semaphore, #tpu.memory_space<semaphore_mem>>) src(%dma_wait3A_80 : memref<10112x128xf32, #tpu.memory_space<hbm>>) dst(%arg12 : memref<128x128xf32, #tpu.memory_space<vmem>>)
        %scan3A_81 = arith.constant 0 : i32
        %scan3A_82 = arith.constant 0 : i32
        %scan3A_83 = arith.constant 128 : i32
        %scan3A_84 = arith.addi %scan3A_82, %scan3A_83 : i32
        %scan3A_85 = arith.constant 1 : i32
        scf.for %scan3A_157 = %scan3A_82 to %scan3A_84 step %scan3A_85  : i32 {
          %mul3A_158 = arith.constant 16 : i32
          %mul3A_159 = arith.muli %scan3A_157, %mul3A_158 : i32
          %get3A_160 = arith.index_cast %mul3A_159 : i32 to index
          %get3A_161 = tpu.vector_load %arg16[%get3A_160] {strides = array<i32>} : memref<2048xi32, #tpu.memory_space<vmem>>, vector<16xi32>,
          %iota3A = tpu.iota {dimensions = array<i32: 0>} : vector<16xi32>
          %add3A_162 = arith.constant 0 : i32
          %add3A_163 = vector.broadcast %add3A_162 : i32 to vector<16xi32>
          %add3A_164 = arith.addi %iota3A, %add3A_163 : vector<16xi32>
          %get3A_165 = arith.index_cast %scan3A_157 : i32 to index
          %get3A_166 = arith.constant 0 : index
          %get3A_167 = tpu.vector_load %arg12[%get3A_165, %get3A_166] {strides = array<i32>} : memref<128x128xf32, #tpu.memory_space<vmem>>, vector<16xf32>,
          tpu.vector_store_idx %arg13[%get3A_161, %add3A_164], %get3A_167 {add = true} : memref<128x128xf32, #tpu.memory_space<vmem>>[vector<16xi32>, vector<16xi32>], vector<16xf32>,
          %iota3A_168 = tpu.iota {dimensions = array<i32: 0>} : vector<16xi32>
          %add3A_169 = arith.constant 16 : i32
          %add3A_170 = vector.broadcast %add3A_169 : i32 to vector<16xi32>
          %add3A_171 = arith.addi %iota3A_168, %add3A_170 : vector<16xi32>
          %get3A_172 = arith.index_cast %scan3A_157 : i32 to index
          %get3A_173 = arith.constant 16 : index
          %get3A_174 = tpu.vector_load %arg12[%get3A_172, %get3A_173] {strides = array<i32>} : memref<128x128xf32, #tpu.memory_space<vmem>>, vector<16xf32>,
          tpu.vector_store_idx %arg13[%get3A_161, %add3A_171], %get3A_174 {add = true} : memref<128x128xf32, #tpu.memory_space<vmem>>[vector<16xi32>, vector<16xi32>], vector<16xf32>,
          %iota3A_175 = tpu.iota {dimensions = array<i32: 0>} : vector<16xi32>
          %add3A_176 = arith.constant 32 : i32
          %add3A_177 = vector.broadcast %add3A_176 : i32 to vector<16xi32>
          %add3A_178 = arith.addi %iota3A_175, %add3A_177 : vector<16xi32>
          %get3A_179 = arith.index_cast %scan3A_157 : i32 to index
          %get3A_180 = arith.constant 32 : index
          %get3A_181 = tpu.vector_load %arg12[%get3A_179, %get3A_180] {strides = array<i32>} : memref<128x128xf32, #tpu.memory_space<vmem>>, vector<16xf32>,
          tpu.vector_store_idx %arg13[%get3A_161, %add3A_178], %get3A_181 {add = true} : memref<128x128xf32, #tpu.memory_space<vmem>>[vector<16xi32>, vector<16xi32>], vector<16xf32>,
          %iota3A_182 = tpu.iota {dimensions = array<i32: 0>} : vector<16xi32>
          %add3A_183 = arith.constant 48 : i32
          %add3A_184 = vector.broadcast %add3A_183 : i32 to vector<16xi32>
          %add3A_185 = arith.addi %iota3A_182, %add3A_184 : vector<16xi32>
          %get3A_186 = arith.index_cast %scan3A_157 : i32 to index
          %get3A_187 = arith.constant 48 : index
          %get3A_188 = tpu.vector_load %arg12[%get3A_186, %get3A_187] {strides = array<i32>} : memref<128x128xf32, #tpu.memory_space<vmem>>, vector<16xf32>,
          tpu.vector_store_idx %arg13[%get3A_161, %add3A_185], %get3A_188 {add = true} : memref<128x128xf32, #tpu.memory_space<vmem>>[vector<16xi32>, vector<16xi32>], vector<16xf32>,
          %iota3A_189 = tpu.iota {dimensions = array<i32: 0>} : vector<16xi32>
          %add3A_190 = arith.constant 64 : i32
          %add3A_191 = vector.broadcast %add3A_190 : i32 to vector<16xi32>
          %add3A_192 = arith.addi %iota3A_189, %add3A_191 : vector<16xi32>
          %get3A_193 = arith.index_cast %scan3A_157 : i32 to index
          %get3A_194 = arith.constant 64 : index
          %get3A_195 = tpu.vector_load %arg12[%get3A_193, %get3A_194] {strides = array<i32>} : memref<128x128xf32, #tpu.memory_space<vmem>>, vector<16xf32>,
          tpu.vector_store_idx %arg13[%get3A_161, %add3A_192], %get3A_195 {add = true} : memref<128x128xf32, #tpu.memory_space<vmem>>[vector<16xi32>, vector<16xi32>], vector<16xf32>,
          %iota3A_196 = tpu.iota {dimensions = array<i32: 0>} : vector<16xi32>
          %add3A_197 = arith.constant 80 : i32
          %add3A_198 = vector.broadcast %add3A_197 : i32 to vector<16xi32>
          %add3A_199 = arith.addi %iota3A_196, %add3A_198 : vector<16xi32>
          %get3A_200 = arith.index_cast %scan3A_157 : i32 to index
          %get3A_201 = arith.constant 80 : index
          %get3A_202 = tpu.vector_load %arg12[%get3A_200, %get3A_201] {strides = array<i32>} : memref<128x128xf32, #tpu.memory_space<vmem>>, vector<16xf32>,
          tpu.vector_store_idx %arg13[%get3A_161, %add3A_199], %get3A_202 {add = true} : memref<128x128xf32, #tpu.memory_space<vmem>>[vector<16xi32>, vector<16xi32>], vector<16xf32>,
          %iota3A_203 = tpu.iota {dimensions = array<i32: 0>} : vector<16xi32>
          %add3A_204 = arith.constant 96 : i32
          %add3A_205 = vector.broadcast %add3A_204 : i32 to vector<16xi32>
          %add3A_206 = arith.addi %iota3A_203, %add3A_205 : vector<16xi32>
          %get3A_207 = arith.index_cast %scan3A_157 : i32 to index
          %get3A_208 = arith.constant 96 : index
          %get3A_209 = tpu.vector_load %arg12[%get3A_207, %get3A_208] {strides = array<i32>} : memref<128x128xf32, #tpu.memory_space<vmem>>, vector<16xf32>,
          tpu.vector_store_idx %arg13[%get3A_161, %add3A_206], %get3A_209 {add = true} : memref<128x128xf32, #tpu.memory_space<vmem>>[vector<16xi32>, vector<16xi32>], vector<16xf32>,
          %iota3A_210 = tpu.iota {dimensions = array<i32: 0>} : vector<16xi32>
          %add3A_211 = arith.constant 112 : i32
          %add3A_212 = vector.broadcast %add3A_211 : i32 to vector<16xi32>
          %add3A_213 = arith.addi %iota3A_210, %add3A_212 : vector<16xi32>
          %get3A_214 = arith.index_cast %scan3A_157 : i32 to index
          %get3A_215 = arith.constant 112 : index
          %get3A_216 = tpu.vector_load %arg12[%get3A_214, %get3A_215] {strides = array<i32>} : memref<128x128xf32, #tpu.memory_space<vmem>>, vector<16xf32>,
          tpu.vector_store_idx %arg13[%get3A_161, %add3A_213], %get3A_216 {add = true} : memref<128x128xf32, #tpu.memory_space<vmem>>[vector<16xi32>, vector<16xi32>], vector<16xf32>,
        }
        %scan3A_86 = arith.constant 128 : i32
        %get3A = arith.constant 0 : index
        %get3A_87 = tpu.vector_load %arg10[%get3A] {strides = array<i32>} : memref<128xi32, #tpu.memory_space<vmem>>, vector<16xi32>,
        %get3A_88 = arith.constant 0 : index
        %get3A_89 = tpu.vector_load %arg11[%get3A_88] {strides = array<i32>} : memref<128xi32, #tpu.memory_space<vmem>>, vector<16xi32>,
        %broadcast_in_dim3A_90 = arith.constant 0 : i32
        %broadcast_in_dim3A_91 = vector.broadcast %broadcast_in_dim3A_90 : i32 to vector<16xi32>
        %ge3A = arith.cmpi sge, %get3A_89, %broadcast_in_dim3A_91 : vector<16xi32>
        %broadcast_in_dim3A_92 = arith.constant 0 : i32
        %broadcast_in_dim3A_93 = vector.broadcast %broadcast_in_dim3A_92 : i32 to vector<16xi32>
        tpu.vector_store_idx %arg14[%broadcast_in_dim3A_93, %get3A_87], %get3A_89 masked %ge3A : memref<1x128xi32, #tpu.memory_space<vmem>>[vector<16xi32>, vector<16xi32>], vector<16xi32>, vector<16xi1>
        %get3A_94 = arith.constant 16 : index
        %get3A_95 = tpu.vector_load %arg10[%get3A_94] {strides = array<i32>} : memref<128xi32, #tpu.memory_space<vmem>>, vector<16xi32>,
        %get3A_96 = arith.constant 16 : index
        %get3A_97 = tpu.vector_load %arg11[%get3A_96] {strides = array<i32>} : memref<128xi32, #tpu.memory_space<vmem>>, vector<16xi32>,
        %broadcast_in_dim3A_98 = arith.constant 0 : i32
        %broadcast_in_dim3A_99 = vector.broadcast %broadcast_in_dim3A_98 : i32 to vector<16xi32>
        %ge3A_100 = arith.cmpi sge, %get3A_97, %broadcast_in_dim3A_99 : vector<16xi32>
        %broadcast_in_dim3A_101 = arith.constant 0 : i32
        %broadcast_in_dim3A_102 = vector.broadcast %broadcast_in_dim3A_101 : i32 to vector<16xi32>
        tpu.vector_store_idx %arg14[%broadcast_in_dim3A_102, %get3A_95], %get3A_97 masked %ge3A_100 : memref<1x128xi32, #tpu.memory_space<vmem>>[vector<16xi32>, vector<16xi32>], vector<16xi32>, vector<16xi1>
        %get3A_103 = arith.constant 32 : index
        %get3A_104 = tpu.vector_load %arg10[%get3A_103] {strides = array<i32>} : memref<128xi32, #tpu.memory_space<vmem>>, vector<16xi32>,
        %get3A_105 = arith.constant 32 : index
        %get3A_106 = tpu.vector_load %arg11[%get3A_105] {strides = array<i32>} : memref<128xi32, #tpu.memory_space<vmem>>, vector<16xi32>,
        %broadcast_in_dim3A_107 = arith.constant 0 : i32
        %broadcast_in_dim3A_108 = vector.broadcast %broadcast_in_dim3A_107 : i32 to vector<16xi32>
        %ge3A_109 = arith.cmpi sge, %get3A_106, %broadcast_in_dim3A_108 : vector<16xi32>
        %broadcast_in_dim3A_110 = arith.constant 0 : i32
        %broadcast_in_dim3A_111 = vector.broadcast %broadcast_in_dim3A_110 : i32 to vector<16xi32>
        tpu.vector_store_idx %arg14[%broadcast_in_dim3A_111, %get3A_104], %get3A_106 masked %ge3A_109 : memref<1x128xi32, #tpu.memory_space<vmem>>[vector<16xi32>, vector<16xi32>], vector<16xi32>, vector<16xi1>
        %get3A_112 = arith.constant 48 : index
        %get3A_113 = tpu.vector_load %arg10[%get3A_112] {strides = array<i32>} : memref<128xi32, #tpu.memory_space<vmem>>, vector<16xi32>,
        %get3A_114 = arith.constant 48 : index
        %get3A_115 = tpu.vector_load %arg11[%get3A_114] {strides = array<i32>} : memref<128xi32, #tpu.memory_space<vmem>>, vector<16xi32>,
        %broadcast_in_dim3A_116 = arith.constant 0 : i32
        %broadcast_in_dim3A_117 = vector.broadcast %broadcast_in_dim3A_116 : i32 to vector<16xi32>
        %ge3A_118 = arith.cmpi sge, %get3A_115, %broadcast_in_dim3A_117 : vector<16xi32>
        %broadcast_in_dim3A_119 = arith.constant 0 : i32
        %broadcast_in_dim3A_120 = vector.broadcast %broadcast_in_dim3A_119 : i32 to vector<16xi32>
        tpu.vector_store_idx %arg14[%broadcast_in_dim3A_120, %get3A_113], %get3A_115 masked %ge3A_118 : memref<1x128xi32, #tpu.memory_space<vmem>>[vector<16xi32>, vector<16xi32>], vector<16xi32>, vector<16xi1>
        %get3A_121 = arith.constant 64 : index
        %get3A_122 = tpu.vector_load %arg10[%get3A_121] {strides = array<i32>} : memref<128xi32, #tpu.memory_space<vmem>>, vector<16xi32>,
        %get3A_123 = arith.constant 64 : index
        %get3A_124 = tpu.vector_load %arg11[%get3A_123] {strides = array<i32>} : memref<128xi32, #tpu.memory_space<vmem>>, vector<16xi32>,
        %broadcast_in_dim3A_125 = arith.constant 0 : i32
        %broadcast_in_dim3A_126 = vector.broadcast %broadcast_in_dim3A_125 : i32 to vector<16xi32>
        %ge3A_127 = arith.cmpi sge, %get3A_124, %broadcast_in_dim3A_126 : vector<16xi32>
        %broadcast_in_dim3A_128 = arith.constant 0 : i32
        %broadcast_in_dim3A_129 = vector.broadcast %broadcast_in_dim3A_128 : i32 to vector<16xi32>
        tpu.vector_store_idx %arg14[%broadcast_in_dim3A_129, %get3A_122], %get3A_124 masked %ge3A_127 : memref<1x128xi32, #tpu.memory_space<vmem>>[vector<16xi32>, vector<16xi32>], vector<16xi32>, vector<16xi1>
        %get3A_130 = arith.constant 80 : index
        %get3A_131 = tpu.vector_load %arg10[%get3A_130] {strides = array<i32>} : memref<128xi32, #tpu.memory_space<vmem>>, vector<16xi32>,
        %get3A_132 = arith.constant 80 : index
        %get3A_133 = tpu.vector_load %arg11[%get3A_132] {strides = array<i32>} : memref<128xi32, #tpu.memory_space<vmem>>, vector<16xi32>,
        %broadcast_in_dim3A_134 = arith.constant 0 : i32
        %broadcast_in_dim3A_135 = vector.broadcast %broadcast_in_dim3A_134 : i32 to vector<16xi32>
        %ge3A_136 = arith.cmpi sge, %get3A_133, %broadcast_in_dim3A_135 : vector<16xi32>
        %broadcast_in_dim3A_137 = arith.constant 0 : i32
        %broadcast_in_dim3A_138 = vector.broadcast %broadcast_in_dim3A_137 : i32 to vector<16xi32>
        tpu.vector_store_idx %arg14[%broadcast_in_dim3A_138, %get3A_131], %get3A_133 masked %ge3A_136 : memref<1x128xi32, #tpu.memory_space<vmem>>[vector<16xi32>, vector<16xi32>], vector<16xi32>, vector<16xi1>
        %get3A_139 = arith.constant 96 : index
        %get3A_140 = tpu.vector_load %arg10[%get3A_139] {strides = array<i32>} : memref<128xi32, #tpu.memory_space<vmem>>, vector<16xi32>,
        %get3A_141 = arith.constant 96 : index
        %get3A_142 = tpu.vector_load %arg11[%get3A_141] {strides = array<i32>} : memref<128xi32, #tpu.memory_space<vmem>>, vector<16xi32>,
        %broadcast_in_dim3A_143 = arith.constant 0 : i32
        %broadcast_in_dim3A_144 = vector.broadcast %broadcast_in_dim3A_143 : i32 to vector<16xi32>
        %ge3A_145 = arith.cmpi sge, %get3A_142, %broadcast_in_dim3A_144 : vector<16xi32>
        %broadcast_in_dim3A_146 = arith.constant 0 : i32
        %broadcast_in_dim3A_147 = vector.broadcast %broadcast_in_dim3A_146 : i32 to vector<16xi32>
        tpu.vector_store_idx %arg14[%broadcast_in_dim3A_147, %get3A_140], %get3A_142 masked %ge3A_145 : memref<1x128xi32, #tpu.memory_space<vmem>>[vector<16xi32>, vector<16xi32>], vector<16xi32>, vector<16xi1>
        %get3A_148 = arith.constant 112 : index
        %get3A_149 = tpu.vector_load %arg10[%get3A_148] {strides = array<i32>} : memref<128xi32, #tpu.memory_space<vmem>>, vector<16xi32>,
        %get3A_150 = arith.constant 112 : index
        %get3A_151 = tpu.vector_load %arg11[%get3A_150] {strides = array<i32>} : memref<128xi32, #tpu.memory_space<vmem>>, vector<16xi32>,
        %broadcast_in_dim3A_152 = arith.constant 0 : i32
        %broadcast_in_dim3A_153 = vector.broadcast %broadcast_in_dim3A_152 : i32 to vector<16xi32>
        %ge3A_154 = arith.cmpi sge, %get3A_151, %broadcast_in_dim3A_153 : vector<16xi32>
        %broadcast_in_dim3A_155 = arith.constant 0 : i32
        %broadcast_in_dim3A_156 = vector.broadcast %broadcast_in_dim3A_155 : i32 to vector<16xi32>
        tpu.vector_store_idx %arg14[%broadcast_in_dim3A_156, %get3A_149], %get3A_151 masked %ge3A_154 : memref<1x128xi32, #tpu.memory_space<vmem>>[vector<16xi32>, vector<16xi32>], vector<16xi32>, vector<16xi1>
      }
      %scan3A_70 = arith.constant 21 : i32
      %run_scoped3A = arith.constant 0 : i32
      "tpu.region"() ({
        %run_scoped3A_71 = tpu.sem_alloc : memref<!tpu.dma_semaphore, #tpu.memory_space<semaphore_mem>>
        %dma_start3A = arith.constant 0 : i32
        %dma_start3A_72 = tpu.memref_slice %arg14[%run_scoped3A, %dma_start3A] : memref<1x128xi32, #tpu.memory_space<vmem>> -> memref<1x128xi32, #tpu.memory_space<vmem>>
        %dma_start3A_73 = tpu.memref_squeeze %dma_start3A_72 : memref<1x128xi32, #tpu.memory_space<vmem>> -> memref<128xi32, #tpu.memory_space<vmem>>
        %dma_start3A_74 = arith.constant 0 : i32
        %dma_start3A_75 = arith.constant 0 : i32
        %dma_start3A_76 = tpu.memref_slice %arg15[%dma_start3A_74, %dma_start3A_75] : memref<10112x128xf32, #tpu.memory_space<vmem_shared>> -> memref<10112x128xf32, #tpu.memory_space<vmem_shared>>
        tpu.enqueue_indirect_dma source(%arg13 : memref<128x128xf32, #tpu.memory_space<vmem>>) target(%dma_start3A_76 : memref<10112x128xf32, #tpu.memory_space<vmem_shared>>) offsets(%dma_start3A_73 : memref<128xi32, #tpu.memory_space<vmem>>) semaphore(%run_scoped3A_71 : memref<!tpu.dma_semaphore, #tpu.memory_space<semaphore_mem>>) {add = true}
        %dma_wait3A = arith.constant 0 : i32
        %dma_wait3A_77 = tpu.memref_slice %arg14[%run_scoped3A, %dma_wait3A] : memref<1x128xi32, #tpu.memory_space<vmem>> -> memref<1x128xi32, #tpu.memory_space<vmem>>
        %dma_wait3A_78 = tpu.memref_squeeze %dma_wait3A_77 : memref<1x128xi32, #tpu.memory_space<vmem>> -> memref<128xi32, #tpu.memory_space<vmem>>
        %dma_wait3A_79 = arith.constant 0 : i32
        %dma_wait3A_80 = arith.constant 0 : i32
        %dma_wait3A_81 = tpu.memref_slice %arg15[%dma_wait3A_79, %dma_wait3A_80] : memref<10112x128xf32, #tpu.memory_space<vmem_shared>> -> memref<10112x128xf32, #tpu.memory_space<vmem_shared>>
        tpu.wait_indirect_dma semaphore(%run_scoped3A_71 : memref<!tpu.dma_semaphore, #tpu.memory_space<semaphore_mem>>) src(%arg13 : memref<128x128xf32, #tpu.memory_space<vmem>>) dst(%dma_wait3A_81 : memref<10112x128xf32, #tpu.memory_space<vmem_shared>>)
        tpu.yield
      }) : () -> ()
    }
    %scan3A_7 = arith.constant 4 : i32
    %barrier3A_8 = arith.constant 0 : index
    tpu.barrier barrier_id(%barrier3A_8)
    %mul3A_9 = arith.constant 632 : i32
    %mul3A_10 = arith.muli %arg1, %mul3A_9 : i32
    %mul3A_11 = arith.constant 632 : i32
    %mul3A_12 = arith.muli %arg1, %mul3A_11 : i32
    "tpu.region"() ({
      %run_scoped3A = tpu.sem_alloc : memref<!tpu.dma_semaphore, #tpu.memory_space<semaphore_mem>>
      %dma_start3A = arith.constant 0 : i32
      %dma_start3A_13 = tpu.memref_slice %arg8[%arg0, %mul3A_12, %dma_start3A] : memref<2x10112x128xf32, #tpu.memory_space<hbm>> -> memref<1x632x128xf32, #tpu.memory_space<hbm>>
      %dma_start3A_14 = tpu.memref_squeeze %dma_start3A_13 : memref<1x632x128xf32, #tpu.memory_space<hbm>> -> memref<632x128xf32, #tpu.memory_space<hbm>>
      %dma_start3A_15 = arith.constant 0 : i32
      %dma_start3A_16 = tpu.memref_slice %arg15[%mul3A_10, %dma_start3A_15] : memref<10112x128xf32, #tpu.memory_space<vmem_shared>> -> memref<632x128xf32, #tpu.memory_space<vmem_shared>>
      tpu.enqueue_dma source(%dma_start3A_16 : memref<632x128xf32, #tpu.memory_space<vmem_shared>>) target(%dma_start3A_14 : memref<632x128xf32, #tpu.memory_space<hbm>>) target_semaphore(%run_scoped3A : memref<!tpu.dma_semaphore, #tpu.memory_space<semaphore_mem>>)
      %dma_wait3A = arith.constant 0 : i32
      %dma_wait3A_17 = tpu.memref_slice %arg8[%arg0, %mul3A_12, %dma_wait3A] : memref<2x10112x128xf32, #tpu.memory_space<hbm>> -> memref<1x632x128xf32, #tpu.memory_space<hbm>>
      %dma_wait3A_18 = tpu.memref_squeeze %dma_wait3A_17 : memref<1x632x128xf32, #tpu.memory_space<hbm>> -> memref<632x128xf32, #tpu.memory_space<hbm>>
      %dma_wait3A_19 = arith.constant 0 : i32
      %dma_wait3A_20 = tpu.memref_slice %arg15[%mul3A_10, %dma_wait3A_19] : memref<10112x128xf32, #tpu.memory_space<vmem_shared>> -> memref<632x128xf32, #tpu.memory_space<vmem_shared>>
      tpu.wait_dma2 semaphore(%run_scoped3A : memref<!tpu.dma_semaphore, #tpu.memory_space<semaphore_mem>>) src(%dma_wait3A_20 : memref<632x128xf32, #tpu.memory_space<vmem_shared>>) dst(%dma_wait3A_18 : memref<632x128xf32, #tpu.memory_space<hbm>>)
      tpu.yield
    }) : () -> ()
    return
  }
}

module attributes {stable_mosaic.version = 14 : i64} {
  func.func @_proj_body(%arg0: memref<10112x128xf32, #tpu.memory_space<vmem>>, %arg1: memref<128x128xf32, #tpu.memory_space<vmem>>, %arg2: memref<10112x128xf32, #tpu.memory_space<vmem>>, %arg3: memref<10112x128xf32, #tpu.memory_space<vmem>>) attributes {dimension_semantics = [], scalar_prefetch = 0 : i64, scratch_operands = 0 : i64, tpu.core_type = #tpu.core_type<tc>} {
    %get3A = arith.constant 0 : index
    %get3A_0 = arith.constant 0 : index
    %get3A_1 = vector.load %arg0[%get3A, %get3A_0] : memref<10112x128xf32, #tpu.memory_space<vmem>>, vector<10112x128xf32>
    %get3A_2 = arith.constant 0 : index
    %get3A_3 = arith.constant 0 : index
    %get3A_4 = vector.load %arg1[%get3A_2, %get3A_3] : memref<128x128xf32, #tpu.memory_space<vmem>>, vector<128x128xf32>
    %dot_general3A = arith.constant dense<0.000000e+00> : vector<10112x128xf32>
    %dot_general3A_5 = tpu.matmul %get3A_1, %get3A_4, %dot_general3A {dimension_numbers = #tpu.dot_dimension_numbers<[1], [0], [0], [1], [0, 0, 1, 1], [], []>, transpose_lhs_hint = false} : vector<10112x128xf32>, vector<128x128xf32>, vector<10112x128xf32> -> vector<10112x128xf32>
    %swap3A = arith.constant 0 : index
    %swap3A_6 = arith.constant 0 : index
    %swap3A_7 = vector.load %arg2[%swap3A, %swap3A_6] : memref<10112x128xf32, #tpu.memory_space<vmem>>, vector<10112x128xf32>
    tpu.vector_store %arg2[%swap3A, %swap3A_6], %dot_general3A_5 {strides = array<i32>} : memref<10112x128xf32, #tpu.memory_space<vmem>>, vector<10112x128xf32>,
    %tanh3A = math.tanh %dot_general3A_5 : vector<10112x128xf32>
    %swap3A_8 = arith.constant 0 : index
    %swap3A_9 = arith.constant 0 : index
    %swap3A_10 = vector.load %arg3[%swap3A_8, %swap3A_9] : memref<10112x128xf32, #tpu.memory_space<vmem>>, vector<10112x128xf32>
    tpu.vector_store %arg3[%swap3A_8, %swap3A_9], %tanh3A {strides = array<i32>} : memref<10112x128xf32, #tpu.memory_space<vmem>>, vector<10112x128xf32>,
    return
  }
}

module attributes {stable_mosaic.version = 14 : i64} {
  func.func @_update_body(%arg0: memref<10112x128xf32, #tpu.memory_space<vmem>>, %arg1: memref<2x10112x128xf32, #tpu.memory_space<vmem>>, %arg2: memref<128x128xf32, #tpu.memory_space<vmem>>, %arg3: memref<10112x128xf32, #tpu.memory_space<vmem>>) attributes {dimension_semantics = [], scalar_prefetch = 0 : i64, scratch_operands = 0 : i64, tpu.core_type = #tpu.core_type<tc>} {
    %get3A = arith.constant 0 : index
    %get3A_0 = arith.constant 0 : index
    %get3A_1 = arith.constant 0 : index
    %get3A_2 = vector.load %arg1[%get3A, %get3A_0, %get3A_1] : memref<2x10112x128xf32, #tpu.memory_space<vmem>>, vector<1x10112x128xf32>
    %get3A_3 = vector.shape_cast %get3A_2 : vector<1x10112x128xf32> to vector<10112x128xf32>
    %get3A_4 = arith.constant 1 : index
    %get3A_5 = arith.constant 0 : index
    %get3A_6 = arith.constant 0 : index
    %get3A_7 = vector.load %arg1[%get3A_4, %get3A_5, %get3A_6] : memref<2x10112x128xf32, #tpu.memory_space<vmem>>, vector<1x10112x128xf32>
    %get3A_8 = vector.shape_cast %get3A_7 : vector<1x10112x128xf32> to vector<10112x128xf32>
    %add3A = arith.addf %get3A_3, %get3A_8 : vector<10112x128xf32>
    %get3A_9 = arith.constant 0 : index
    %get3A_10 = arith.constant 0 : index
    %get3A_11 = vector.load %arg0[%get3A_9, %get3A_10] : memref<10112x128xf32, #tpu.memory_space<vmem>>, vector<10112x128xf32>
    %get3A_12 = arith.constant 0 : index
    %get3A_13 = arith.constant 0 : index
    %get3A_14 = vector.load %arg2[%get3A_12, %get3A_13] : memref<128x128xf32, #tpu.memory_space<vmem>>, vector<128x128xf32>
    %dot_general3A = arith.constant dense<0.000000e+00> : vector<10112x128xf32>
    %dot_general3A_15 = tpu.matmul %add3A, %get3A_14, %dot_general3A {dimension_numbers = #tpu.dot_dimension_numbers<[1], [0], [0], [1], [0, 0, 1, 1], [], []>, transpose_lhs_hint = false} : vector<10112x128xf32>, vector<128x128xf32>, vector<10112x128xf32> -> vector<10112x128xf32>
    %add3A_16 = arith.addf %get3A_11, %dot_general3A_15 : vector<10112x128xf32>
    %tanh3A = math.tanh %add3A_16 : vector<10112x128xf32>
    %swap3A = arith.constant 0 : index
    %swap3A_17 = arith.constant 0 : index
    %swap3A_18 = vector.load %arg3[%swap3A, %swap3A_17] : memref<10112x128xf32, #tpu.memory_space<vmem>>, vector<10112x128xf32>
    tpu.vector_store %arg3[%swap3A, %swap3A_17], %tanh3A {strides = array<i32>} : memref<10112x128xf32, #tpu.memory_space<vmem>>, vector<10112x128xf32>,
    %broadcast_in_dim3A = arith.constant 0.000000e+00 : f32
    %broadcast_in_dim3A_19 = vector.broadcast %broadcast_in_dim3A : f32 to vector<112x128xf32>
    %swap3A_20 = arith.constant 10000 : index
    %swap3A_21 = arith.constant 0 : index
    %swap3A_22 = vector.load %arg3[%swap3A_20, %swap3A_21] : memref<10112x128xf32, #tpu.memory_space<vmem>>, vector<112x128xf32>
    tpu.vector_store %arg3[%swap3A_20, %swap3A_21], %broadcast_in_dim3A_19 {strides = array<i32>} : memref<10112x128xf32, #tpu.memory_space<vmem>>, vector<112x128xf32>,
    return
  }
}

module attributes {stable_mosaic.version = 14 : i64} {
  func.func @_proj_body(%arg0: memref<10112x128xf32, #tpu.memory_space<vmem>>, %arg1: memref<128x128xf32, #tpu.memory_space<vmem>>, %arg2: memref<10112x128xf32, #tpu.memory_space<vmem>>, %arg3: memref<10112x128xf32, #tpu.memory_space<vmem>>) attributes {dimension_semantics = [], scalar_prefetch = 0 : i64, scratch_operands = 0 : i64, tpu.core_type = #tpu.core_type<tc>} {
    %get3A = arith.constant 0 : index
    %get3A_0 = arith.constant 0 : index
    %get3A_1 = vector.load %arg0[%get3A, %get3A_0] : memref<10112x128xf32, #tpu.memory_space<vmem>>, vector<10112x128xf32>
    %get3A_2 = arith.constant 0 : index
    %get3A_3 = arith.constant 0 : index
    %get3A_4 = vector.load %arg1[%get3A_2, %get3A_3] : memref<128x128xf32, #tpu.memory_space<vmem>>, vector<128x128xf32>
    %dot_general3A = arith.constant dense<0.000000e+00> : vector<10112x128xf32>
    %dot_general3A_5 = tpu.matmul %get3A_1, %get3A_4, %dot_general3A {dimension_numbers = #tpu.dot_dimension_numbers<[1], [0], [0], [1], [0, 0, 1, 1], [], []>, transpose_lhs_hint = false} : vector<10112x128xf32>, vector<128x128xf32>, vector<10112x128xf32> -> vector<10112x128xf32>
    %swap3A = arith.constant 0 : index
    %swap3A_6 = arith.constant 0 : index
    %swap3A_7 = vector.load %arg2[%swap3A, %swap3A_6] : memref<10112x128xf32, #tpu.memory_space<vmem>>, vector<10112x128xf32>
    tpu.vector_store %arg2[%swap3A, %swap3A_6], %dot_general3A_5 {strides = array<i32>} : memref<10112x128xf32, #tpu.memory_space<vmem>>, vector<10112x128xf32>,
    %tanh3A = math.tanh %dot_general3A_5 : vector<10112x128xf32>
    %swap3A_8 = arith.constant 0 : index
    %swap3A_9 = arith.constant 0 : index
    %swap3A_10 = vector.load %arg3[%swap3A_8, %swap3A_9] : memref<10112x128xf32, #tpu.memory_space<vmem>>, vector<10112x128xf32>
    tpu.vector_store %arg3[%swap3A_8, %swap3A_9], %tanh3A {strides = array<i32>} : memref<10112x128xf32, #tpu.memory_space<vmem>>, vector<10112x128xf32>,
    return
  }
}

</mosaic_0001>

<sc_bundles>
// kernel: closed_call.30.cloned.1.call-start
scs
__scs_entry_jumppad:
0x0: {  	(pc) =	sbr.rel $0x88, $3  }
0x1: {  	(tag) =	ssettag $0x0;
	lr =	simm.s32 $0x1  }
0x2: {  	[smem:$0x3F9B] =	sst lr;
	_ =	strace $0xD0000000  }
0x3: {  	_ = 	snop  }
0x4: {  	_ = 	snop  }
0x5: {  	_ = 	snop  }
0x6: {  	_ = 	snop  }
0x7: {  	_ = 	snop  }
__scs_overlays_trampoline_lowered:
0x8: {  	[smem:$0x3FAA] =	sst s0  }
0x9: {  	[smem:$0x3FAB] =	sst s1  }
0xa: {  	[smem:$0x3FAC] =	sst s2  }
0xb: {  	[smem:$0x3FAD] =	sst s3  }
0xc: {  	[smem:$0x3FAE] =	sst s4  }
0xd: {  	[smem:$0x3FAF] =	sst s5  }
0xe: {  	[smem:$0x3FB0] =	sst s6  }
0xf: {  	[smem:$0x3FB1] =	sst s7  }
0x10: {  	[smem:$0x3FB2] =	sst s8  }
0x11: {  	[smem:$0x3FB3] =	sst s9;
	s0 =	simm.s32 @!p0 $0x0  }
0x12: {  	s1 =	sld [smem:$0x3F99];
	s0 =	simm.s32 @p0 $0x1  }
0x13: {  	[smem:$0x3FB4] =	sst s0;
	s0 =	simm.s32 @!p1 $0x0  }
0x14: {  	s2 =	sld [smem:$0x3F98];
	s0 =	simm.s32 @p1 $0x1  }
0x15: {  	[smem:$0x3FB5] =	sst s0;
	s0 =	simm.s32 @!p2 $0x0  }
0x16: {  	s3 =	sld [smem:$0x3FDB];
	s0 =	simm.s32 @p2 $0x1  }
0x17: {  	s4 =	simm.s32 $0x1BF5;
	[smem:$0x3FB7] =	sst s0  }
0x18: {  	s0 =	sld [smem:$0x3F9A];
	_ =	swait.ge [sflag:s4], $0x0  }
0x19: {  	s7 =	sld [smem:$0x3F9B]  }
0x1a: {  	s8 =	sadd.s32 $0xFFFFE003, lr  }
0x1b: {  	s9 =	sadd.s32 $0xFFFFFEF7, lr;
	s5 =	simm.s32 $0xFFFFFFFF;
	p2 =	slt.u32 s8, $0xFFFFF086  }
0x1c: {  	p1 =	slt.u32 s9, $0xF7A;
	s5 =	simm.s32 @!p2 $0x0  }
0x1d: {  	s5 =	simm.s32 @p1 $0x1;
	p0 =	seq.s32 s7, s2  }
0x1e: {  	s7 =	smul.u32 @!p0 $0xF7A, s2;
	p2 =	seq.s32 @!p0 s5, $0x0  }
0x1f: {  	s9 =	smul.u32 $0xF7A, s1;
	s8 =	simm.s32 @!p0 $0x1BF5;
	p2 =	por !p2, p0  }
0x20: {  	[sflag:s8] =	ssyncset.s32 @!p0 $0xFFFFF086;
	s6 =	sadd.s32 @!p0 s3, s7;
	s7 =	simm.s32 @!p0 $0x108  }
0x21: {  	s3 =	sadd.s32 s3, s9;
	s6 =	sadd.s32 @!p0 $0x88, s6;
	s7 =	simm.s32 @p2 $0x1082  }
0x22: {  	[simem:s7], [sflag:s8] =	dma.local @!p0 [hbm:s6], $0xF7A  }
0x23: {  	s9 =	sor.u32 $0xD0000000, s2;
	s6 =	simm.s32 $0x108;
	_ =	swait.ge @!p0 [sflag:s8], $0x0  }
0x24: {  	s3 =	sadd.s32 $0x88, s3;
	s6 =	simm.s32 @!p1 $0x1082;
	[sflag:s4] =	ssyncset.s32 $0xFFFFF086  }
0x25: {  	[simem:s6], [sflag:s4] =	dma.local [hbm:s3], $0xF7A  }
0x26: {  	[smem:$0x3F9B] =	sst s1;
	(tag) =	ssettag s2;
	_ =	strace s9  }
0x27: {  	s1 =	sld [smem:$0x3FAB]  }
0x28: {  	s2 =	sld [smem:$0x3FAC]  }
0x29: {  	s4 =	sld [smem:$0x3FAE]  }
0x2a: {  	p0 =	seq.s32 s5, $0x0;
	s5 =	sld [smem:$0x3FAF]  }
0x2b: {  	s6 =	sld [smem:$0x3FB0]  }
0x2c: {  	s7 =	sld [smem:$0x3FB1]  }
0x2d: {  	s3 =	simm.s32 $0x108;
	s8 =	sld [smem:$0x3FB2]  }
0x2e: {  	s3 =	simm.s32 @!p0 $0x1082;
	s9 =	sld [smem:$0x3FB3]  }
0x2f: {  	lr =	sadd.s32 s0, s3;
	s0 =	sld [smem:$0x3FAA]  }
0x30: {  	s3 =	sld [smem:$0x3FAD]  }
0x31: {  	[smem:$0x3FB6] =	sst s10  }
0x32: {  	s10 =	sld [smem:$0x3FB4];
	_ =	sdelay $0x3  }
0x33: {  	p0 =	seq.s32 s10, $0x1;
	s10 =	sld [smem:$0x3FB6];
	_ =	sdelay $0x3  }
0x34: {  	[smem:$0x3FB6] =	sst s10  }
0x35: {  	s10 =	sld [smem:$0x3FB5];
	_ =	sdelay $0x3  }
0x36: {  	p1 =	seq.s32 s10, $0x1;
	s10 =	sld [smem:$0x3FB6];
	_ =	sdelay $0x3  }
0x37: {  	[smem:$0x3FB6] =	sst s10  }
0x38: {  	s10 =	sld [smem:$0x3FB7]  }
0x39: {  	_ = 	snop;
	(pc) =	sbr.ind lr, $3  }
0x3a: {  	_ = 	snop  }
0x3b: {  	_ = 	snop  }
0x3c: {  	p2 =	seq.s32 s10, $0x1;
	s10 =	sld [smem:$0x3FB6]  }
0x3d: {  	_ =	shalt  }
0x3e: {  	_ =	shalt  }
0x3f: {  	_ =	shalt  }
0x40: {  	_ =	shalt  }
0x41: {  	_ =	shalt  }
0x42: {  	_ =	shalt  }
0x43: {  	_ =	shalt  }
0x44: {  	_ =	shalt  }
0x45: {  	_ =	shalt  }
0x46: {  	_ =	shalt  }
0x47: {  	_ =	shalt  }
0x48: {  	_ =	shalt  }
0x49: {  	_ =	shalt  }
0x4a: {  	_ =	shalt  }
0x4b: {  	_ =	shalt  }
0x4c: {  	_ =	shalt  }
0x4d: {  	_ =	shalt  }
0x4e: {  	_ =	shalt  }
0x4f: {  	_ =	shalt  }
0x50: {  	_ =	shalt  }
0x51: {  	_ =	shalt  }
0x52: {  	_ =	shalt  }
0x53: {  	_ =	shalt  }
0x54: {  	_ =	shalt  }
0x55: {  	_ =	shalt  }
0x56: {  	_ =	shalt  }
0x57: {  	_ =	shalt  }
0x58: {  	_ =	shalt  }
0x59: {  	_ =	shalt  }
0x5a: {  	_ =	shalt  }
0x5b: {  	_ =	shalt  }
0x5c: {  	_ =	shalt  }
0x5d: {  	_ =	shalt  }
0x5e: {  	_ =	shalt  }
0x5f: {  	_ =	shalt  }
0x60: {  	_ =	shalt  }
0x61: {  	_ =	shalt  }
0x62: {  	_ =	shalt  }
0x63: {  	_ =	shalt  }
0x64: {  	_ =	shalt  }
0x65: {  	_ =	shalt  }
0x66: {  	_ =	shalt  }
0x67: {  	_ =	shalt  }
0x68: {  	_ =	shalt  }
0x69: {  	_ =	shalt  }
0x6a: {  	_ =	shalt  }
0x6b: {  	_ =	shalt  }
0x6c: {  	_ =	shalt  }
0x6d: {  	_ =	shalt  }
0x6e: {  	_ =	shalt  }
0x6f: {  	_ =	shalt  }
0x70: {  	_ =	shalt  }
0x71: {  	_ =	shalt  }
0x72: {  	_ =	shalt  }
0x73: {  	_ =	shalt  }
0x74: {  	_ =	shalt  }
0x75: {  	_ =	shalt  }
0x76: {  	_ =	shalt  }
0x77: {  	_ =	shalt  }
0x78: {  	_ =	shalt  }
0x79: {  	_ =	shalt  }
0x7a: {  	_ =	shalt  }
0x7b: {  	_ =	shalt  }
0x7c: {  	_ =	shalt  }
0x7d: {  	_ =	shalt  }
0x7e: {  	_ =	shalt  }
0x7f: {  	_ =	shalt  }
0x80: {  	_ =	shalt  }
0x81: {  	_ =	shalt  }
0x82: {  	_ =	shalt  }
0x83: {  	_ =	shalt  }
0x84: {  	_ =	shalt  }
0x85: {  	_ =	shalt  }
0x86: {  	_ =	shalt  }
0x87: {  	_ =	shalt  }
.Lfunc_end0:
.L_simem_size_0:
called_computation.3_lowered:
.L_overlay_start_0:
0x88: {  	s2 =	sld [smem:$0x3FD9]  }
0x89: {  	s3 =	sld [smem:$0x3FFE];
	_ =	sdelay $0x1  }
0x8a: {  	s1 =	srdreg.scid  }
0x8b: {  	s0 =	sand.u32 $0x1, s1  }
0x8c: {  	s17 =	sshll.u32 s0, $0xA;
	s2 =	sadd.s32 s3, s2  }
0x8d: {  	s2 =	sadd.s32 s2, s17  }
0x8e: {  	[smem:$0x3FC2] =	sst s2  }
0x8f: {  	_ = 	snop  }
0x90: {  	s2 =	sld [smem:$0x3FD0];
	(tm) =	ssettm $0x1  }
0x91: {  	s18 =	sld [smem:$0x3FFB];
	_ =	sdelay $0x3  }
0x92: {  	_ =	strace s18  }
0x93: {  	s3 =	sld [smem:$0x3FFC];
	_ =	sdelay $0x3  }
0x94: {  	_ =	strace s3  }
0x95: {  	s3 =	sld [smem:$0x3FFD];
	_ =	sdelay $0x3  }
0x96: {  	_ =	strace s3  }
0x97: {  	_ =	strace $0x8FFFFFFF  }
0x98: {  	s19 =	sld [smem:$0x3FDB];
	_ =	sdelay $0x1  }
0x99: {  	s4 =	simm.s32 $_scs_section_size  }
0x9a: {  	s5 =	simm.s32 $_size__tile_overlayer_lowered;
	s6 =	simm.s32 $_tile_overlayer_lowered  }
0x9b: {  	s22 =	simm.s32 $0x1BFF;
	s21 =	sshll.u32 s6, $0x1;
	s3 =	sadd.s32 s4, s19  }
0x9c: {  	s7 =	simm.s32 $0x0;
	s20 =	sshll.u32 s5, $0x1;
	s5 =	sadd.s32 s21, s3  }
0x9d: {  	[timem:s7], [sflag:s22] =	dma.local [hbm:s5], s20  }
0x9e: {  	_ =	swait.ge [sflag:s22], s20  }
0x9f: {  	s4 =	ssub.s32 $0x0, s20;
	[sflag:s22] =	ssyncset.done $0x0  }
0xa0: {  	[sflag:s22] =	ssyncadd.s32 s4;
	_ =	sdelay $0x1  }
0xa1: {  	s23 =	simm.s32 $0x1B8B  }
0xa2: {  	_ =	swait.ge [sflag:s23], $0x1  }
0xa3: {  	[sflag:s23] =	ssyncset.done $0x0  }
0xa4: {  	s25 =	simm.s32 $0x1B8E;
	s24 =	sld [smem:$0x3FFE];
	[sflag:s23] =	ssyncadd.s32 $0xFFFFFFFF  }
0xa5: {  	s26 =	simm.s32 $execute0_lowered;
	[smem:$0x3FD2] =	sst s25  }
0xa6: {  	s5 =	sshll.u32 s26, $0x1;
	_ =	strace $0x8000004F;
	[dreg:$0x1] =	wrdreg $0xFFFFFFFF  }
0xa7: {  	s28 =	simm.s32 $_size_execute0_lowered;
	s3 =	sadd.s32 s3, s5;
	[dreg:$0x0] =	wrdreg $0x0  }
0xa8: {  	s5 =	sshll.u32 s28, $0x1;
	[dreg:$0x2] =	wrdreg s3  }
0xa9: {  	[dreg:$0x3] =	wrdreg s5  }
0xaa: {  	[dreg:$0x4] =	wrdreg $0xC0  }
0xab: {  	_ =	task [dreg:s7], $0x5FFFF  }
0xac: {  	[dreg:$0x1] =	wrdreg $0xFFFFFFFF  }
0xad: {  	[dreg:$0x0] =	wrdreg $0x60  }
0xae: {  	[dreg:$0x2] =	wrdreg s24  }
0xaf: {  	[dreg:$0x3] =	wrdreg s2  }
0xb0: {  	[dreg:$0x4] =	wrdreg $0x82000  }
0xb1: {  	[dreg:$0x5] =	wrdreg $0x9  }
0xb2: {  	_ =	task.clear_ibuf [dreg:s7], $0x6FFFF;
	_ =	strace $0x9000004F  }
0xb3: {  	s29 =	simm.s32 $0x9;
	_ =	strace $0x80000051  }
0xb4: {  	_ =	swait.ge [sflag:s29], $0x1  }
0xb5: {  	[sflag:s29] =	ssyncadd.s32 $0xFFFFFFFF  }
0xb6: {  	_ =	strace $0x90000051  }
0xb7: {  	_ =	sfence  }
0xb8: {  	s30 =	sld [smem:$0x0];
	_ =	sdelay $0x2  }
0xb9: {  	s31 =	sshll.u32 s1, $0xD;
	s1 =	sshrl.u32 s1, $0x2  }
0xba: {  	s3 =	sand.u32 $0x4000, s31;
	s1 =	sadd.s32 s1, s30  }
0xbb: {  	s0 =	sor.u32 s3, s0;
	s1 =	sshll.u32 s1, $0x11  }
0xbc: {  	s0 =	sor.u32 s1, s0  }
0xbd: {  	s0 =	sadd.s32 $0x8F2B, s0  }
0xbe: {  	[sflag:s0] =	ssyncadd.remote.s32 $0x1  }
0xbf: {  	_ =	sfence.sel $0xFFFF  }
0xc0: {  	[dreg:$0x0] =	wrdreg $0xFFFFFFFF;
	(pc) =	sbr.abs _section_cstart, $3  }
0xc1: {  	[dreg:$0x1] =	wrdreg $0xFFFFFFFF  }
0xc2: {  	_ =	task.clear_ibuf [dreg:s7], $0x2FFFF;
	_ =	strace $0x9FFFFFFF  }
0xc3: {  	(tm) =	ssettm $0x7FFFFFFF  }
tec
execute0_lowered:
.L_overlay_start_1:
0x0: {  	(tag) =	ssettag $0x1  }
0x1: {  	s10 =	rddreg [dreg:$0x0]  }
0x2: {  	s1 =	rddreg [dreg:$0x1]  }
0x3: {  	s2 =	rddreg [dreg:$0x2]  }
0x4: {  	s4 =	simm.s32 $0x0;
	s3 =	srdreg.scid;
	s17 =	simm.s32 $0x80  }
0x5: {  	s18 =	simm.s32 $0x100;
	s19 =	simm.s32 $0x1BE00;
	s20 =	simm.s32 $0x180  }
0x6: {  	s21 =	simm.s32 $0x1;
	s22 =	simm.s32 $0x8180;
	s24 =	simm.s32 $0x0  }
0x7: {  	[smem:$0x7FF] =	sst s4;
	s11 =	sand.u32 $0x1, s3;
	s3 =	stileid.u32  }
0x8: {  	s5 =	sadd.s32 $0x4D800, s10;
	s6 =	sadd.s32 $0x6C00, s10;
	s9 =	smul.u32 $0x13C000, s11  }
0x9: {  	s7 =	sadd.s32 $0x42800, s10;
	s8 =	sadd.s32 $0x5B5000, s10;
	s12 =	smul.u32 $0x13C00, s3  }
0xa: {  	_ =	strace $0x80000050;
	s26 =	ssub.s32 $0x2, s11;
	s15 =	smul.u32 $0x4F000, s3  }
0xb: {  	v0 =	vimm.s32 $0x2710;
	s28 =	sshll.u32 s11, $0x4;
	s30 =	sshll.u32 s3, $0x6;
	s14 =	sshrl.u32 s26, $0x1  }
0xc: {  	v1 =	vimm.s32 $0x271D;
	v2 =	vimm.s32 $0x272A;
	v3 =	vimm.s32 $0x2737;
	s31 =	sor.u32 s3, s28;
	s9 =	sadd.s32 s12, s9;
	s14 =	ssub.s32 s26, s14  }
0xd: {  	v4 =	vimm.s32 $0x2744;
	v5 =	vimm.s32 $0x2751;
	v6 =	vlaneseq.u32;
	s29 =	sshrl.u32 s15, $0x2;
	s11 =	smul.u32 $0x2A00, s31;
	s13 =	sshrl.u32 s9, $0x3  }
0xe: {  	v7 =	vimm.s32 $0x275E;
	v8 =	vimm.s32 $0x276B;
	v9 =	vor.u32 $0x10, v6;
	s15 =	simm.s32 $0x2;
	s9 =	sadd.s32 $0x11400, s10;
	s13 =	sadd.s32 s13, s10  }
0xf: {  	v10 =	vor.u32 $0x20, v6;
	v11 =	vor.u32 $0x30, v6;
	v12 =	vor.u32 $0x40, v6;
	s16 =	sadd.s32 s29, s2;
	s10 =	sor.u32 $0x1C02, s30;
	s12 =	sadd.s32 $0x75000, s13  }
0x10: {  	v13 =	vor.u32 $0x50, v6;
	v14 =	vor.u32 $0x60, v6;
	v15 =	vor.u32 $0x70, v6;
	s13 =	smax.u32 s14, $0x1;
	s14 =	sshrl.u32 s16, $0x3;
	s16 =	simm.s32 $0x4180  }
.LBB2_1:
0x11: {  	[spmem:s14], [sflag:s10] =	dma.local [hbm:s9], $0x2780  }
0x12: {  	_ =	swait.ge [sflag:s15], $0x2780  }
0x13: {  	[sflag:s15] =	ssyncset.done $0x0  }
0x14: {  	[sflag:s15] =	ssyncadd.s32 $0xFFFFD880  }
0x15: {  	s23 =	simm.s32 $0x0;
	[bflag:$0x0] =	sbarrier.arrive $0xFFFF  }
.LBB2_2:
0x16: {  	[tilespmem:s16], [sflag:$0x2] =	stream.linear.gather [hbm4b:s9+s24], $0x4000, $0x38;
	[tilespmem:$0x1C600] =	vst v63  }
0x17: {  	_ =	swait.ge [sflag:s15], $0x4000  }
0x18: {  	[sflag:s15] =	ssyncset.done $0x0  }
0x19: {  	[sflag:s15] =	ssyncadd.s32 $0xFFFFC000  }
0x1a: {  	[tilespmem:$0x8180] =	vst v0  }
0x1b: {  	[tilespmem:$0x8190] =	vst v1  }
0x1c: {  	[tilespmem:$0x81A0] =	vst v2  }
0x1d: {  	[tilespmem:$0x81B0] =	vst v3  }
0x1e: {  	[tilespmem:$0x81C0] =	vst v4  }
0x1f: {  	s25 =	smul.u32 $0xA80, s23;
	[tilespmem:$0x81D0] =	vst v5  }
0x20: {  	[tilespmem:$0x81E0] =	vst v7  }
0x21: {  	s26 =	simm.s32 $0x0;
	s25 =	sadd.s32 s11, s25;
	[tilespmem:$0x81F0] =	vst v8  }
.LBB2_3:
0x22: {  	s28 =	sshll.u32 s26, $0x7  }
0x23: {  	s28 =	sadd.s32 s28, s25  }
0x24: {  	s29 =	sshrl.u32 s28, $0x3  }
0x25: {  	s30 =	sadd.s32 s1, s29  }
0x26: {  	[tilespmem:s24], [sflag:$0x2] =	stream.linear.gather [hbm4b:s30+s24], $0x80, $0x38;
	[tilespmem:$0x1C600] =	vst v63  }
0x27: {  	_ =	swait.ge [sflag:s15], $0x80  }
0x28: {  	[sflag:s15] =	ssyncset.done $0x0  }
0x29: {  	s0 =	sadd.s32 s6, s29;
	[sflag:s15] =	ssyncadd.s32 $0xFFFFFF80  }
0x2a: {  	[tilespmem:s17], [sflag:$0x2] =	stream.linear.gather [hbm4b:s0+s24], $0x80, $0x38;
	[tilespmem:$0x1C600] =	vst v63  }
0x2b: {  	_ =	swait.ge [sflag:s15], $0x80  }
0x2c: {  	[sflag:s15] =	ssyncset.done $0x0  }
0x2d: {  	s29 =	sadd.s32 s7, s29;
	[sflag:s15] =	ssyncadd.s32 $0xFFFFFF80  }
0x2e: {  	[tilespmem:s18], [sflag:$0x2] =	stream.linear.gather [hbm4b:s29+s24], $0x80, $0x38;
	[tilespmem:$0x1C600] =	vst v63  }
0x2f: {  	_ =	swait.ge [sflag:s15], $0x80  }
0x30: {  	s28 =	sshll.u32 s28, $0x1;
	[sflag:s15] =	ssyncset.done $0x0  }
0x31: {  	s28 =	sadd.s32 s8, s28;
	[sflag:s15] =	ssyncadd.s32 $0xFFFFFF80  }
0x32: {  	[tilespmem:s19], [sflag:$0x2] =	stream.linear.gather [hbm4b:s28+s24], $0x800, $0x38;
	[tilespmem:$0x1C600] =	vst v63  }
0x33: {  	_ =	swait.ge [sflag:s15], $0x800  }
0x34: {  	[sflag:s15] =	ssyncset.done $0x0  }
0x35: {  	[sflag:s15] =	ssyncadd.s32 $0xFFFFF800  }
0x36: {  	[tilespmem:s20], [sflag:$0x1] =	stream.indirect.gather [hbm4b:s5+s17], $0x80, s24, s17, $0xb8;
	[tilespmem:$0x1C600] =	vst v63  }
0x37: {  	_ =	swait.ge [sflag:s21], $0x4000  }
0x38: {  	[sflag:s21] =	ssyncset.done $0x0  }
0x39: {  	s28 =	simm.s32 $0x0;
	[sflag:s21] =	ssyncadd.s32 $0xFFFFC000  }
0x3a: {  	v16 =	vld [tilespmem:s28+$0x1BE00];
	_ =	sdelay $0x4  }
0x3b: {  	s28 =	simm.s32 $0x1C0;
	v17 =	vshll.u32 v16, $0x7  }
0x3c: {  	v16 =	vld [tilespmem:s28+$0xFFFFFFC0];
	v18 =	vor.u32 v6, v17;
	_ =	sdelay $0x4  }
0x3d: {  	[tilespmem:v18+s16+$0x0] =	vst.idx.add.f32.msk $0xffff, v16  }
0x3e: {  	v18 =	vor.u32 v9, v17;
	v16 =	vld [tilespmem:s28+$0xFFFFFFD0];
	_ =	sdelay $0x4  }
0x3f: {  	[tilespmem:v18+s16+$0x0] =	vst.idx.add.f32.msk $0xffff, v16  }
0x40: {  	v18 =	vor.u32 v10, v17;
	v16 =	vld [tilespmem:s28+$0xFFFFFFE0];
	_ =	sdelay $0x4  }
0x41: {  	[tilespmem:v18+s16+$0x0] =	vst.idx.add.f32.msk $0xffff, v16  }
0x42: {  	v18 =	vor.u32 v11, v17;
	v16 =	vld [tilespmem:s28+$0xFFFFFFF0];
	_ =	sdelay $0x4  }
0x43: {  	[tilespmem:v18+s16+$0x0] =	vst.idx.add.f32.msk $0xffff, v16  }
0x44: {  	v18 =	vor.u32 v12, v17;
	v16 =	vld [tilespmem:s28+$0x0];
	_ =	sdelay $0x4  }
0x45: {  	[tilespmem:v18+s16+$0x0] =	vst.idx.add.f32.msk $0xffff, v16  }
0x46: {  	v18 =	vor.u32 v13, v17;
	v16 =	vld [tilespmem:s28+$0x10];
	_ =	sdelay $0x4  }
0x47: {  	[tilespmem:v18+s16+$0x0] =	vst.idx.add.f32.msk $0xffff, v16  }
0x48: {  	v18 =	vor.u32 v14, v17;
	v16 =	vld [tilespmem:s28+$0x20];
	_ =	sdelay $0x4  }
0x49: {  	[tilespmem:v18+s16+$0x0] =	vst.idx.add.f32.msk $0xffff, v16  }
0x4a: {  	s31 =	simm.s32 $0x80;
	s29 =	simm.s32 $0x40;
	v17 =	vor.u32 v15, v17;
	v16 =	vld [tilespmem:s28+$0x30]  }
.LBB2_4:
0x4b: {  	_ =	sdelay $0x2  }
0x4c: {  	s0 =	sshra.s32 s29, $0x2  }
0x4d: {  	s28 =	sadd.s32 $0x80, s28;
	s29 =	smov.u32 s31;
	s30 =	sadd.s32 $0x40, s31;
	[tilespmem:v17+s16+$0x0] =	vst.idx.add.f32.msk $0xffff, v16  }
0x4e: {  	p0 =	sne.s32 s31, $0x1FC0;
	v16 =	vld [tilespmem:s0+$0x1BE00];
	_ =	sdelay $0x4  }
0x4f: {  	v17 =	vshll.u32 v16, $0x7  }
0x50: {  	v16 =	vld [tilespmem:s28+$0xFFFFFFC0];
	v18 =	vor.u32 v6, v17;
	_ =	sdelay $0x4  }
0x51: {  	[tilespmem:v18+s16+$0x0] =	vst.idx.add.f32.msk $0xffff, v16  }
0x52: {  	v18 =	vor.u32 v9, v17;
	v16 =	vld [tilespmem:s28+$0xFFFFFFD0];
	_ =	sdelay $0x4  }
0x53: {  	[tilespmem:v18+s16+$0x0] =	vst.idx.add.f32.msk $0xffff, v16  }
0x54: {  	v18 =	vor.u32 v10, v17;
	v16 =	vld [tilespmem:s28+$0xFFFFFFE0];
	_ =	sdelay $0x4  }
0x55: {  	[tilespmem:v18+s16+$0x0] =	vst.idx.add.f32.msk $0xffff, v16  }
0x56: {  	v18 =	vor.u32 v11, v17;
	v16 =	vld [tilespmem:s28+$0xFFFFFFF0];
	_ =	sdelay $0x4  }
0x57: {  	[tilespmem:v18+s16+$0x0] =	vst.idx.add.f32.msk $0xffff, v16  }
0x58: {  	v18 =	vor.u32 v12, v17;
	v16 =	vld [tilespmem:s28+$0x0];
	_ =	sdelay $0x4  }
0x59: {  	[tilespmem:v18+s16+$0x0] =	vst.idx.add.f32.msk $0xffff, v16  }
0x5a: {  	v18 =	vor.u32 v13, v17;
	v16 =	vld [tilespmem:s28+$0x10];
	_ =	sdelay $0x4  }
0x5b: {  	[tilespmem:v18+s16+$0x0] =	vst.idx.add.f32.msk $0xffff, v16  }
0x5c: {  	v18 =	vor.u32 v14, v17;
	v16 =	vld [tilespmem:s28+$0x20];
	_ =	sdelay $0x1  }
.Ltmp0:
0x5d: {  	(pc) =	sbr.rel @p0 .LBB2_4-.Ltmp0, $3  }
0x5e: {  	_ =	sdelay $0x1  }
0x5f: {  	[tilespmem:v18+s16+$0x0] =	vst.idx.add.f32.msk $0xffff, v16  }
0x60: {  	s31 =	smov.u32 s30;
	v17 =	vor.u32 v15, v17;
	v16 =	vld [tilespmem:s28+$0x30]  }
0x61: {  	_ =	sdelay $0x3  }
0x62: {  	s0 =	sshra.s32 s29, $0x2;
	[tilespmem:v17+s16+$0x0] =	vst.idx.add.f32.msk $0xffff, v16  }
0x63: {  	v16 =	vld [tilespmem:s0+$0x1BE00];
	_ =	sdelay $0x4  }
0x64: {  	s31 =	sadd.s32 $0x80, s28;
	v16 =	vshll.u32 v16, $0x7  }
0x65: {  	v17 =	vld [tilespmem:s31+$0xFFFFFFC0];
	v18 =	vor.u32 v6, v16;
	_ =	sdelay $0x4  }
0x66: {  	[tilespmem:v18+s16+$0x0] =	vst.idx.add.f32.msk $0xffff, v17  }
0x67: {  	v58 =	vor.u32 v9, v16;
	v17 =	vld [tilespmem:s31+$0xFFFFFFD0];
	_ =	sdelay $0x4  }
0x68: {  	[tilespmem:v58+s16+$0x0] =	vst.idx.add.f32.msk $0xffff, v17  }
0x69: {  	v59 =	vor.u32 v10, v16;
	v17 =	vld [tilespmem:s31+$0xFFFFFFE0];
	_ =	sdelay $0x4  }
0x6a: {  	[tilespmem:v59+s16+$0x0] =	vst.idx.add.f32.msk $0xffff, v17  }
0x6b: {  	v60 =	vor.u32 v11, v16;
	v17 =	vld [tilespmem:s31+$0xFFFFFFF0];
	_ =	sdelay $0x4  }
0x6c: {  	[tilespmem:v60+s16+$0x0] =	vst.idx.add.f32.msk $0xffff, v17  }
0x6d: {  	v61 =	vor.u32 v12, v16;
	v17 =	vld [tilespmem:s31+$0x0];
	_ =	sdelay $0x4  }
0x6e: {  	[tilespmem:v61+s16+$0x0] =	vst.idx.add.f32.msk $0xffff, v17  }
0x6f: {  	v62 =	vor.u32 v13, v16;
	v17 =	vld [tilespmem:s31+$0x10];
	_ =	sdelay $0x4  }
0x70: {  	[tilespmem:v62+s16+$0x0] =	vst.idx.add.f32.msk $0xffff, v17  }
0x71: {  	v63 =	vor.u32 v14, v16;
	v17 =	vld [tilespmem:s31+$0x20];
	_ =	sdelay $0x4  }
0x72: {  	[tilespmem:v63+s16+$0x0] =	vst.idx.add.f32.msk $0xffff, v17  }
0x73: {  	v16 =	vor.u32 v15, v16;
	v17 =	vld [tilespmem:s31+$0x30];
	_ =	sdelay $0x4  }
0x74: {  	[tilespmem:v16+s16+$0x0] =	vst.idx.add.f32.msk $0xffff, v17  }
0x75: {  	v16 =	vld [tilespmem:$0x100];
	_ =	sdelay $0x2  }
0x76: {  	v17 =	vld [tilespmem:$0x80];
	_ =	sdelay $0x1  }
0x77: {  	vm0 =	vgt.s32 v16, $0xFFFFFFFF;
	_ =	sdelay $0x5  }
0x78: {  	[tilespmem:v17+s22+$0x0] =	vst.idx.msk vm0, v16  }
0x79: {  	v16 =	vld [tilespmem:$0x110];
	_ =	sdelay $0x2  }
0x7a: {  	v17 =	vld [tilespmem:$0x90];
	_ =	sdelay $0x1  }
0x7b: {  	vm9 =	vgt.s32 v16, $0xFFFFFFFF;
	_ =	sdelay $0x5  }
0x7c: {  	[tilespmem:v17+s22+$0x0] =	vst.idx.msk vm9, v16  }
0x7d: {  	v16 =	vld [tilespmem:$0x120];
	_ =	sdelay $0x2  }
0x7e: {  	v17 =	vld [tilespmem:$0xA0];
	_ =	sdelay $0x1  }
0x7f: {  	vm10 =	vgt.s32 v16, $0xFFFFFFFF;
	_ =	sdelay $0x5  }
0x80: {  	[tilespmem:v17+s22+$0x0] =	vst.idx.msk vm10, v16  }
0x81: {  	v16 =	vld [tilespmem:$0x130];
	_ =	sdelay $0x2  }
0x82: {  	v17 =	vld [tilespmem:$0xB0];
	_ =	sdelay $0x1  }
0x83: {  	vm11 =	vgt.s32 v16, $0xFFFFFFFF;
	_ =	sdelay $0x5  }
0x84: {  	[tilespmem:v17+s22+$0x0] =	vst.idx.msk vm11, v16  }
0x85: {  	v16 =	vld [tilespmem:$0x140];
	_ =	sdelay $0x2  }
0x86: {  	v17 =	vld [tilespmem:$0xC0];
	_ =	sdelay $0x1  }
0x87: {  	vm12 =	vgt.s32 v16, $0xFFFFFFFF;
	_ =	sdelay $0x5  }
0x88: {  	[tilespmem:v17+s22+$0x0] =	vst.idx.msk vm12, v16  }
0x89: {  	v16 =	vld [tilespmem:$0x150];
	_ =	sdelay $0x2  }
0x8a: {  	v17 =	vld [tilespmem:$0xD0];
	_ =	sdelay $0x1  }
0x8b: {  	vm13 =	vgt.s32 v16, $0xFFFFFFFF;
	_ =	sdelay $0x5  }
0x8c: {  	[tilespmem:v17+s22+$0x0] =	vst.idx.msk vm13, v16  }
0x8d: {  	v16 =	vld [tilespmem:$0x160];
	_ =	sdelay $0x2  }
0x8e: {  	v17 =	vld [tilespmem:$0xE0];
	_ =	sdelay $0x1  }
0x8f: {  	vm14 =	vgt.s32 v16, $0xFFFFFFFF;
	_ =	sdelay $0x5  }
0x90: {  	[tilespmem:v17+s22+$0x0] =	vst.idx.msk vm14, v16  }
0x91: {  	v16 =	vld [tilespmem:$0x170];
	_ =	sdelay $0x2  }
0x92: {  	v17 =	vld [tilespmem:$0xF0];
	_ =	sdelay $0x1  }
0x93: {  	s26 =	sadd.s32 $0x1, s26;
	vm15 =	vgt.s32 v16, $0xFFFFFFFF  }
0x94: {  	p0 =	sne.s32 s26, $0x15  }
.Ltmp1:
0x95: {  	_ = 	snop;
	(pc) =	sbr.rel @p0 .LBB2_3-.Ltmp1, $2  }
0x96: {  	_ =	sdelay $0x2  }
0x97: {  	[tilespmem:v17+s22+$0x0] =	vst.idx.msk vm15, v16  }
0x98: {  	s23 =	sadd.s32 $0x1, s23  }
0x99: {  	p0 =	sne.s32 s23, $0x4  }
.Ltmp2:
0x9a: {  	_ = 	snop;
	(pc) =	sbr.rel @p0 .LBB2_2-.Ltmp2, $4  }
0x9b: {  	[spmem:s2] =	stream.indirect.scatter.add.f32 [tilespmem:s16], [sflag:$0x2], $0x80, s22, s17, $0xb8;
	[tilespmem:$0x1C600] =	vst v63  }
0x9c: {  	_ =	swait.ge [sflag:s15], $0x4000  }
0x9d: {  	[sflag:s15] =	ssyncset.done $0x0  }
0x9e: {  	[sflag:s15] =	ssyncadd.s32 $0xFFFFC000  }
0x9f: {  	s4 =	sadd.s32 $0x1, s4  }
0xa0: {  	p0 =	sne.s32 s4, s13  }
.Ltmp3:
0xa1: {  	[bflag:$0x0] =	sbarrier.arrive $0xFFFF;
	(pc) =	sbr.rel @p0 .LBB2_1-.Ltmp3, $4  }
0xa2: {  	[hbm:s12], [sflag:s10] =	dma.local [spmem:s14], $0x2780  }
0xa3: {  	_ =	swait.ge [sflag:s15], $0x2780  }
0xa4: {  	[sflag:s15] =	ssyncset.done $0x0  }
0xa5: {  	[sflag:s15] =	ssyncadd.s32 $0xFFFFD880  }
0xa6: {  	_ =	sfence.sel $0x180000  }
0xa7: {  	[bflag:$0x0] =	sbarrier.arrive $0xFFFF  }
0xa8: {  	_ =	strace $0x90000050  }
0xa9: {  	[bflag:$0x2] =	sbarrier.arrive $0xFFFF  }
0xaa: {  	p0 =	sne.s32 s3, $0x0;
	s0 =	rddreg [dreg:$0x3]  }
0xab: {  	s0 =	sadd.s32 @!p0 $0x100000, s0  }
0xac: {  	[sflag:s0] =	ssyncadd.tile.s32 @!p0 $0x1;
	_ =	shalt  }
.Lfunc_end2:
_tile_overlayer_lowered:
.L_overlay_start_2:
0xad: {  	(tag) =	ssettag $0x2  }
0xae: {  	s0 =	rddreg [dreg:$0x0];
	s2 =	stileid.u32  }
0xaf: {  	s1 =	rddreg [dreg:$0x1];
	p0 =	sne.s32 s2, $0x0  }
0xb0: {  	s3 =	rddreg [dreg:$0x2];
	[bflag:$0x3] =	sbarrier.arrive $0xFFFF;
	s2 =	simm.s32 @!p0 $0x1C02  }
0xb1: {  	[timem:s3], [sflag:s2] =	dma.local @!p0 [hbm:s0], s1  }
0xb2: {  	s0 =	simm.s32 @!p0 $0x2  }
0xb3: {  	_ =	swait.ge @!p0 [sflag:s0], s1  }
0xb4: {  	s1 =	ssub.s32 @!p0 $0x0, s1;
	[sflag:s0] =	ssyncset.done @!p0 $0x0  }
0xb5: {  	[sflag:s0] =	ssyncadd.s32 @!p0 s1  }
0xb6: {  	[bflag:$0x3] =	sbarrier.arrive $0xFFFF  }
0xb7: {  	_ =	shalt  }

// kernel: closed_call.33.cloned.1.call-start
scs
__scs_entry_jumppad:
0x0: {  	(pc) =	sbr.rel $0x88, $3  }
0x1: {  	(tag) =	ssettag $0x0;
	lr =	simm.s32 $0x1  }
0x2: {  	[smem:$0x3F9B] =	sst lr;
	_ =	strace $0xD0000000  }
0x3: {  	_ = 	snop  }
0x4: {  	_ = 	snop  }
0x5: {  	_ = 	snop  }
0x6: {  	_ = 	snop  }
0x7: {  	_ = 	snop  }
__scs_overlays_trampoline_lowered:
0x8: {  	[smem:$0x3FAA] =	sst s0  }
0x9: {  	[smem:$0x3FAB] =	sst s1  }
0xa: {  	[smem:$0x3FAC] =	sst s2  }
0xb: {  	[smem:$0x3FAD] =	sst s3  }
0xc: {  	[smem:$0x3FAE] =	sst s4  }
0xd: {  	[smem:$0x3FAF] =	sst s5  }
0xe: {  	[smem:$0x3FB0] =	sst s6  }
0xf: {  	[smem:$0x3FB1] =	sst s7  }
0x10: {  	[smem:$0x3FB2] =	sst s8  }
0x11: {  	[smem:$0x3FB3] =	sst s9;
	s0 =	simm.s32 @!p0 $0x0  }
0x12: {  	s1 =	sld [smem:$0x3F99];
	s0 =	simm.s32 @p0 $0x1  }
0x13: {  	[smem:$0x3FB4] =	sst s0;
	s0 =	simm.s32 @!p1 $0x0  }
0x14: {  	s2 =	sld [smem:$0x3F98];
	s0 =	simm.s32 @p1 $0x1  }
0x15: {  	[smem:$0x3FB5] =	sst s0;
	s0 =	simm.s32 @!p2 $0x0  }
0x16: {  	s3 =	sld [smem:$0x3FDB];
	s0 =	simm.s32 @p2 $0x1  }
0x17: {  	s4 =	simm.s32 $0x1BF5;
	[smem:$0x3FB7] =	sst s0  }
0x18: {  	s0 =	sld [smem:$0x3F9A];
	_ =	swait.ge [sflag:s4], $0x0  }
0x19: {  	s7 =	sld [smem:$0x3F9B]  }
0x1a: {  	s8 =	sadd.s32 $0xFFFFE003, lr  }
0x1b: {  	s9 =	sadd.s32 $0xFFFFFEF7, lr;
	s5 =	simm.s32 $0xFFFFFFFF;
	p2 =	slt.u32 s8, $0xFFFFF086  }
0x1c: {  	p1 =	slt.u32 s9, $0xF7A;
	s5 =	simm.s32 @!p2 $0x0  }
0x1d: {  	s5 =	simm.s32 @p1 $0x1;
	p0 =	seq.s32 s7, s2  }
0x1e: {  	s7 =	smul.u32 @!p0 $0xF7A, s2;
	p2 =	seq.s32 @!p0 s5, $0x0  }
0x1f: {  	s9 =	smul.u32 $0xF7A, s1;
	s8 =	simm.s32 @!p0 $0x1BF5;
	p2 =	por !p2, p0  }
0x20: {  	[sflag:s8] =	ssyncset.s32 @!p0 $0xFFFFF086;
	s6 =	sadd.s32 @!p0 s3, s7;
	s7 =	simm.s32 @!p0 $0x108  }
0x21: {  	s3 =	sadd.s32 s3, s9;
	s6 =	sadd.s32 @!p0 $0x88, s6;
	s7 =	simm.s32 @p2 $0x1082  }
0x22: {  	[simem:s7], [sflag:s8] =	dma.local @!p0 [hbm:s6], $0xF7A  }
0x23: {  	s9 =	sor.u32 $0xD0000000, s2;
	s6 =	simm.s32 $0x108;
	_ =	swait.ge @!p0 [sflag:s8], $0x0  }
0x24: {  	s3 =	sadd.s32 $0x88, s3;
	s6 =	simm.s32 @!p1 $0x1082;
	[sflag:s4] =	ssyncset.s32 $0xFFFFF086  }
0x25: {  	[simem:s6], [sflag:s4] =	dma.local [hbm:s3], $0xF7A  }
0x26: {  	[smem:$0x3F9B] =	sst s1;
	(tag) =	ssettag s2;
	_ =	strace s9  }
0x27: {  	s1 =	sld [smem:$0x3FAB]  }
0x28: {  	s2 =	sld [smem:$0x3FAC]  }
0x29: {  	s4 =	sld [smem:$0x3FAE]  }
0x2a: {  	p0 =	seq.s32 s5, $0x0;
	s5 =	sld [smem:$0x3FAF]  }
0x2b: {  	s6 =	sld [smem:$0x3FB0]  }
0x2c: {  	s7 =	sld [smem:$0x3FB1]  }
0x2d: {  	s3 =	simm.s32 $0x108;
	s8 =	sld [smem:$0x3FB2]  }
0x2e: {  	s3 =	simm.s32 @!p0 $0x1082;
	s9 =	sld [smem:$0x3FB3]  }
0x2f: {  	lr =	sadd.s32 s0, s3;
	s0 =	sld [smem:$0x3FAA]  }
0x30: {  	s3 =	sld [smem:$0x3FAD]  }
0x31: {  	[smem:$0x3FB6] =	sst s10  }
0x32: {  	s10 =	sld [smem:$0x3FB4];
	_ =	sdelay $0x3  }
0x33: {  	p0 =	seq.s32 s10, $0x1;
	s10 =	sld [smem:$0x3FB6];
	_ =	sdelay $0x3  }
0x34: {  	[smem:$0x3FB6] =	sst s10  }
0x35: {  	s10 =	sld [smem:$0x3FB5];
	_ =	sdelay $0x3  }
0x36: {  	p1 =	seq.s32 s10, $0x1;
	s10 =	sld [smem:$0x3FB6];
	_ =	sdelay $0x3  }
0x37: {  	[smem:$0x3FB6] =	sst s10  }
0x38: {  	s10 =	sld [smem:$0x3FB7]  }
0x39: {  	_ = 	snop;
	(pc) =	sbr.ind lr, $3  }
0x3a: {  	_ = 	snop  }
0x3b: {  	_ = 	snop  }
0x3c: {  	p2 =	seq.s32 s10, $0x1;
	s10 =	sld [smem:$0x3FB6]  }
0x3d: {  	_ =	shalt  }
0x3e: {  	_ =	shalt  }
0x3f: {  	_ =	shalt  }
0x40: {  	_ =	shalt  }
0x41: {  	_ =	shalt  }
0x42: {  	_ =	shalt  }
0x43: {  	_ =	shalt  }
0x44: {  	_ =	shalt  }
0x45: {  	_ =	shalt  }
0x46: {  	_ =	shalt  }
0x47: {  	_ =	shalt  }
0x48: {  	_ =	shalt  }
0x49: {  	_ =	shalt  }
0x4a: {  	_ =	shalt  }
0x4b: {  	_ =	shalt  }
0x4c: {  	_ =	shalt  }
0x4d: {  	_ =	shalt  }
0x4e: {  	_ =	shalt  }
0x4f: {  	_ =	shalt  }
0x50: {  	_ =	shalt  }
0x51: {  	_ =	shalt  }
0x52: {  	_ =	shalt  }
0x53: {  	_ =	shalt  }
0x54: {  	_ =	shalt  }
0x55: {  	_ =	shalt  }
0x56: {  	_ =	shalt  }
0x57: {  	_ =	shalt  }
0x58: {  	_ =	shalt  }
0x59: {  	_ =	shalt  }
0x5a: {  	_ =	shalt  }
0x5b: {  	_ =	shalt  }
0x5c: {  	_ =	shalt  }
0x5d: {  	_ =	shalt  }
0x5e: {  	_ =	shalt  }
0x5f: {  	_ =	shalt  }
0x60: {  	_ =	shalt  }
0x61: {  	_ =	shalt  }
0x62: {  	_ =	shalt  }
0x63: {  	_ =	shalt  }
0x64: {  	_ =	shalt  }
0x65: {  	_ =	shalt  }
0x66: {  	_ =	shalt  }
0x67: {  	_ =	shalt  }
0x68: {  	_ =	shalt  }
0x69: {  	_ =	shalt  }
0x6a: {  	_ =	shalt  }
0x6b: {  	_ =	shalt  }
0x6c: {  	_ =	shalt  }
0x6d: {  	_ =	shalt  }
0x6e: {  	_ =	shalt  }
0x6f: {  	_ =	shalt  }
0x70: {  	_ =	shalt  }
0x71: {  	_ =	shalt  }
0x72: {  	_ =	shalt  }
0x73: {  	_ =	shalt  }
0x74: {  	_ =	shalt  }
0x75: {  	_ =	shalt  }
0x76: {  	_ =	shalt  }
0x77: {  	_ =	shalt  }
0x78: {  	_ =	shalt  }
0x79: {  	_ =	shalt  }
0x7a: {  	_ =	shalt  }
0x7b: {  	_ =	shalt  }
0x7c: {  	_ =	shalt  }
0x7d: {  	_ =	shalt  }
0x7e: {  	_ =	shalt  }
0x7f: {  	_ =	shalt  }
0x80: {  	_ =	shalt  }
0x81: {  	_ =	shalt  }
0x82: {  	_ =	shalt  }
0x83: {  	_ =	shalt  }
0x84: {  	_ =	shalt  }
0x85: {  	_ =	shalt  }
0x86: {  	_ =	shalt  }
0x87: {  	_ =	shalt  }
.Lfunc_end0:
.L_simem_size_0:
called_computation.4_lowered:
.L_overlay_start_0:
0x88: {  	s2 =	sld [smem:$0x3FD9]  }
0x89: {  	s3 =	sld [smem:$0x3FFE];
	_ =	sdelay $0x1  }
0x8a: {  	s1 =	srdreg.scid  }
0x8b: {  	s0 =	sand.u32 $0x1, s1  }
0x8c: {  	s17 =	sshll.u32 s0, $0xA;
	s2 =	sadd.s32 s3, s2  }
0x8d: {  	s2 =	sadd.s32 s2, s17  }
0x8e: {  	[smem:$0x3FC2] =	sst s2  }
0x8f: {  	_ = 	snop  }
0x90: {  	s2 =	sld [smem:$0x3FD0];
	(tm) =	ssettm $0x1  }
0x91: {  	s18 =	sld [smem:$0x3FFB];
	_ =	sdelay $0x3  }
0x92: {  	_ =	strace s18  }
0x93: {  	s3 =	sld [smem:$0x3FFC];
	_ =	sdelay $0x3  }
0x94: {  	_ =	strace s3  }
0x95: {  	s3 =	sld [smem:$0x3FFD];
	_ =	sdelay $0x3  }
0x96: {  	_ =	strace s3  }
0x97: {  	_ =	strace $0x8FFFFFFF  }
0x98: {  	s19 =	sld [smem:$0x3FDB];
	_ =	sdelay $0x1  }
0x99: {  	s4 =	simm.s32 $_scs_section_size  }
0x9a: {  	s5 =	simm.s32 $_size__tile_overlayer_lowered;
	s6 =	simm.s32 $_tile_overlayer_lowered  }
0x9b: {  	s22 =	simm.s32 $0x1BFF;
	s21 =	sshll.u32 s6, $0x1;
	s3 =	sadd.s32 s4, s19  }
0x9c: {  	s7 =	simm.s32 $0x0;
	s20 =	sshll.u32 s5, $0x1;
	s5 =	sadd.s32 s21, s3  }
0x9d: {  	[timem:s7], [sflag:s22] =	dma.local [hbm:s5], s20  }
0x9e: {  	_ =	swait.ge [sflag:s22], s20  }
0x9f: {  	s4 =	ssub.s32 $0x0, s20;
	[sflag:s22] =	ssyncset.done $0x0  }
0xa0: {  	[sflag:s22] =	ssyncadd.s32 s4;
	_ =	sdelay $0x1  }
0xa1: {  	s23 =	simm.s32 $0x1B8B  }
0xa2: {  	_ =	swait.ge [sflag:s23], $0x1  }
0xa3: {  	[sflag:s23] =	ssyncset.done $0x0  }
0xa4: {  	s25 =	simm.s32 $0x1B8E;
	s24 =	sld [smem:$0x3FFE];
	[sflag:s23] =	ssyncadd.s32 $0xFFFFFFFF  }
0xa5: {  	s26 =	simm.s32 $execute0_lowered;
	[smem:$0x3FD2] =	sst s25  }
0xa6: {  	s5 =	sshll.u32 s26, $0x1;
	_ =	strace $0x80000052;
	[dreg:$0x1] =	wrdreg $0xFFFFFFFF  }
0xa7: {  	s28 =	simm.s32 $_size_execute0_lowered;
	s3 =	sadd.s32 s3, s5;
	[dreg:$0x0] =	wrdreg $0x0  }
0xa8: {  	s5 =	sshll.u32 s28, $0x1;
	[dreg:$0x2] =	wrdreg s3  }
0xa9: {  	[dreg:$0x3] =	wrdreg s5  }
0xaa: {  	[dreg:$0x4] =	wrdreg $0xC0  }
0xab: {  	_ =	task [dreg:s7], $0x5FFFF  }
0xac: {  	[dreg:$0x1] =	wrdreg $0xFFFFFFFF  }
0xad: {  	[dreg:$0x0] =	wrdreg $0x60  }
0xae: {  	[dreg:$0x2] =	wrdreg s24  }
0xaf: {  	[dreg:$0x3] =	wrdreg s2  }
0xb0: {  	[dreg:$0x4] =	wrdreg $0x82000  }
0xb1: {  	[dreg:$0x5] =	wrdreg $0x9  }
0xb2: {  	_ =	task.clear_ibuf [dreg:s7], $0x6FFFF;
	_ =	strace $0x90000052  }
0xb3: {  	s29 =	simm.s32 $0x9;
	_ =	strace $0x80000054  }
0xb4: {  	_ =	swait.ge [sflag:s29], $0x1  }
0xb5: {  	[sflag:s29] =	ssyncadd.s32 $0xFFFFFFFF  }
0xb6: {  	_ =	strace $0x90000054  }
0xb7: {  	_ =	sfence  }
0xb8: {  	s30 =	sld [smem:$0x0];
	_ =	sdelay $0x2  }
0xb9: {  	s31 =	sshll.u32 s1, $0xD;
	s1 =	sshrl.u32 s1, $0x2  }
0xba: {  	s3 =	sand.u32 $0x4000, s31;
	s1 =	sadd.s32 s1, s30  }
0xbb: {  	s0 =	sor.u32 s3, s0;
	s1 =	sshll.u32 s1, $0x11  }
0xbc: {  	s0 =	sor.u32 s1, s0  }
0xbd: {  	s0 =	sadd.s32 $0x8F2B, s0  }
0xbe: {  	[sflag:s0] =	ssyncadd.remote.s32 $0x1  }
0xbf: {  	_ =	sfence.sel $0xFFFF  }
0xc0: {  	[dreg:$0x0] =	wrdreg $0xFFFFFFFF;
	(pc) =	sbr.abs _section_cstart, $3  }
0xc1: {  	[dreg:$0x1] =	wrdreg $0xFFFFFFFF  }
0xc2: {  	_ =	task.clear_ibuf [dreg:s7], $0x2FFFF;
	_ =	strace $0x9FFFFFFF  }
0xc3: {  	(tm) =	ssettm $0x7FFFFFFF  }
tec
execute0_lowered:
.L_overlay_start_1:
0x0: {  	(tag) =	ssettag $0x1  }
0x1: {  	s10 =	rddreg [dreg:$0x0]  }
0x2: {  	s1 =	rddreg [dreg:$0x1]  }
0x3: {  	s2 =	rddreg [dreg:$0x2]  }
0x4: {  	s4 =	simm.s32 $0x0;
	s3 =	srdreg.scid;
	s17 =	simm.s32 $0x80  }
0x5: {  	s18 =	simm.s32 $0x100;
	s19 =	simm.s32 $0x1BE00;
	s20 =	simm.s32 $0x180  }
0x6: {  	s21 =	simm.s32 $0x1;
	s22 =	simm.s32 $0x8180;
	s24 =	simm.s32 $0x0  }
0x7: {  	[smem:$0x7FF] =	sst s4;
	s11 =	sand.u32 $0x1, s3;
	s3 =	stileid.u32  }
0x8: {  	s5 =	sadd.s32 $0x1AA00, s10;
	s6 =	sadd.s32 $0x6C00, s10;
	s9 =	smul.u32 $0x13C000, s11  }
0x9: {  	s7 =	sadd.s32 $0x42800, s10;
	s8 =	sadd.s32 $0x58D000, s10;
	s12 =	smul.u32 $0x13C00, s3  }
0xa: {  	_ =	strace $0x80000053;
	s26 =	ssub.s32 $0x2, s11;
	s15 =	smul.u32 $0x4F000, s3  }
0xb: {  	v0 =	vimm.s32 $0x2710;
	s28 =	sshll.u32 s11, $0x4;
	s30 =	sshll.u32 s3, $0x6;
	s14 =	sshrl.u32 s26, $0x1  }
0xc: {  	v1 =	vimm.s32 $0x271D;
	v2 =	vimm.s32 $0x272A;
	v3 =	vimm.s32 $0x2737;
	s31 =	sor.u32 s3, s28;
	s9 =	sadd.s32 s12, s9;
	s14 =	ssub.s32 s26, s14  }
0xd: {  	v4 =	vimm.s32 $0x2744;
	v5 =	vimm.s32 $0x2751;
	v6 =	vlaneseq.u32;
	s29 =	sshrl.u32 s15, $0x2;
	s11 =	smul.u32 $0x2A00, s31;
	s13 =	sshrl.u32 s9, $0x3  }
0xe: {  	v7 =	vimm.s32 $0x275E;
	v8 =	vimm.s32 $0x276B;
	v9 =	vor.u32 $0x10, v6;
	s15 =	simm.s32 $0x2;
	s9 =	sadd.s32 $0x11400, s10;
	s13 =	sadd.s32 s13, s10  }
0xf: {  	v10 =	vor.u32 $0x20, v6;
	v11 =	vor.u32 $0x30, v6;
	v12 =	vor.u32 $0x40, v6;
	s16 =	sadd.s32 s29, s2;
	s10 =	sor.u32 $0x1C02, s30;
	s12 =	sadd.s32 $0x4D000, s13  }
0x10: {  	v13 =	vor.u32 $0x50, v6;
	v14 =	vor.u32 $0x60, v6;
	v15 =	vor.u32 $0x70, v6;
	s13 =	smax.u32 s14, $0x1;
	s14 =	sshrl.u32 s16, $0x3;
	s16 =	simm.s32 $0x4180  }
.LBB2_1:
0x11: {  	[spmem:s14], [sflag:s10] =	dma.local [hbm:s9], $0x2780  }
0x12: {  	_ =	swait.ge [sflag:s15], $0x2780  }
0x13: {  	[sflag:s15] =	ssyncset.done $0x0  }
0x14: {  	[sflag:s15] =	ssyncadd.s32 $0xFFFFD880  }
0x15: {  	s23 =	simm.s32 $0x0;
	[bflag:$0x0] =	sbarrier.arrive $0xFFFF  }
.LBB2_2:
0x16: {  	[tilespmem:s16], [sflag:$0x2] =	stream.linear.gather [hbm4b:s9+s24], $0x4000, $0x38;
	[tilespmem:$0x1C600] =	vst v63  }
0x17: {  	_ =	swait.ge [sflag:s15], $0x4000  }
0x18: {  	[sflag:s15] =	ssyncset.done $0x0  }
0x19: {  	[sflag:s15] =	ssyncadd.s32 $0xFFFFC000  }
0x1a: {  	[tilespmem:$0x8180] =	vst v0  }
0x1b: {  	[tilespmem:$0x8190] =	vst v1  }
0x1c: {  	[tilespmem:$0x81A0] =	vst v2  }
0x1d: {  	[tilespmem:$0x81B0] =	vst v3  }
0x1e: {  	[tilespmem:$0x81C0] =	vst v4  }
0x1f: {  	s25 =	smul.u32 $0xA80, s23;
	[tilespmem:$0x81D0] =	vst v5  }
0x20: {  	[tilespmem:$0x81E0] =	vst v7  }
0x21: {  	s26 =	simm.s32 $0x0;
	s25 =	sadd.s32 s11, s25;
	[tilespmem:$0x81F0] =	vst v8  }
.LBB2_3:
0x22: {  	s28 =	sshll.u32 s26, $0x7  }
0x23: {  	s28 =	sadd.s32 s28, s25  }
0x24: {  	s29 =	sshrl.u32 s28, $0x3  }
0x25: {  	s30 =	sadd.s32 s1, s29  }
0x26: {  	[tilespmem:s24], [sflag:$0x2] =	stream.linear.gather [hbm4b:s30+s24], $0x80, $0x38;
	[tilespmem:$0x1C600] =	vst v63  }
0x27: {  	_ =	swait.ge [sflag:s15], $0x80  }
0x28: {  	[sflag:s15] =	ssyncset.done $0x0  }
0x29: {  	s0 =	sadd.s32 s6, s29;
	[sflag:s15] =	ssyncadd.s32 $0xFFFFFF80  }
0x2a: {  	[tilespmem:s17], [sflag:$0x2] =	stream.linear.gather [hbm4b:s0+s24], $0x80, $0x38;
	[tilespmem:$0x1C600] =	vst v63  }
0x2b: {  	_ =	swait.ge [sflag:s15], $0x80  }
0x2c: {  	[sflag:s15] =	ssyncset.done $0x0  }
0x2d: {  	s29 =	sadd.s32 s7, s29;
	[sflag:s15] =	ssyncadd.s32 $0xFFFFFF80  }
0x2e: {  	[tilespmem:s18], [sflag:$0x2] =	stream.linear.gather [hbm4b:s29+s24], $0x80, $0x38;
	[tilespmem:$0x1C600] =	vst v63  }
0x2f: {  	_ =	swait.ge [sflag:s15], $0x80  }
0x30: {  	s28 =	sshll.u32 s28, $0x1;
	[sflag:s15] =	ssyncset.done $0x0  }
0x31: {  	s28 =	sadd.s32 s8, s28;
	[sflag:s15] =	ssyncadd.s32 $0xFFFFFF80  }
0x32: {  	[tilespmem:s19], [sflag:$0x2] =	stream.linear.gather [hbm4b:s28+s24], $0x800, $0x38;
	[tilespmem:$0x1C600] =	vst v63  }
0x33: {  	_ =	swait.ge [sflag:s15], $0x800  }
0x34: {  	[sflag:s15] =	ssyncset.done $0x0  }
0x35: {  	[sflag:s15] =	ssyncadd.s32 $0xFFFFF800  }
0x36: {  	[tilespmem:s20], [sflag:$0x1] =	stream.indirect.gather [hbm4b:s5+s17], $0x80, s24, s17, $0xb8;
	[tilespmem:$0x1C600] =	vst v63  }
0x37: {  	_ =	swait.ge [sflag:s21], $0x4000  }
0x38: {  	[sflag:s21] =	ssyncset.done $0x0  }
0x39: {  	s28 =	simm.s32 $0x0;
	[sflag:s21] =	ssyncadd.s32 $0xFFFFC000  }
0x3a: {  	v16 =	vld [tilespmem:s28+$0x1BE00];
	_ =	sdelay $0x4  }
0x3b: {  	s28 =	simm.s32 $0x1C0;
	v17 =	vshll.u32 v16, $0x7  }
0x3c: {  	v16 =	vld [tilespmem:s28+$0xFFFFFFC0];
	v18 =	vor.u32 v6, v17;
	_ =	sdelay $0x4  }
0x3d: {  	[tilespmem:v18+s16+$0x0] =	vst.idx.add.f32.msk $0xffff, v16  }
0x3e: {  	v18 =	vor.u32 v9, v17;
	v16 =	vld [tilespmem:s28+$0xFFFFFFD0];
	_ =	sdelay $0x4  }
0x3f: {  	[tilespmem:v18+s16+$0x0] =	vst.idx.add.f32.msk $0xffff, v16  }
0x40: {  	v18 =	vor.u32 v10, v17;
	v16 =	vld [tilespmem:s28+$0xFFFFFFE0];
	_ =	sdelay $0x4  }
0x41: {  	[tilespmem:v18+s16+$0x0] =	vst.idx.add.f32.msk $0xffff, v16  }
0x42: {  	v18 =	vor.u32 v11, v17;
	v16 =	vld [tilespmem:s28+$0xFFFFFFF0];
	_ =	sdelay $0x4  }
0x43: {  	[tilespmem:v18+s16+$0x0] =	vst.idx.add.f32.msk $0xffff, v16  }
0x44: {  	v18 =	vor.u32 v12, v17;
	v16 =	vld [tilespmem:s28+$0x0];
	_ =	sdelay $0x4  }
0x45: {  	[tilespmem:v18+s16+$0x0] =	vst.idx.add.f32.msk $0xffff, v16  }
0x46: {  	v18 =	vor.u32 v13, v17;
	v16 =	vld [tilespmem:s28+$0x10];
	_ =	sdelay $0x4  }
0x47: {  	[tilespmem:v18+s16+$0x0] =	vst.idx.add.f32.msk $0xffff, v16  }
0x48: {  	v18 =	vor.u32 v14, v17;
	v16 =	vld [tilespmem:s28+$0x20];
	_ =	sdelay $0x4  }
0x49: {  	[tilespmem:v18+s16+$0x0] =	vst.idx.add.f32.msk $0xffff, v16  }
0x4a: {  	s31 =	simm.s32 $0x80;
	s29 =	simm.s32 $0x40;
	v17 =	vor.u32 v15, v17;
	v16 =	vld [tilespmem:s28+$0x30]  }
.LBB2_4:
0x4b: {  	_ =	sdelay $0x2  }
0x4c: {  	s0 =	sshra.s32 s29, $0x2  }
0x4d: {  	s28 =	sadd.s32 $0x80, s28;
	s29 =	smov.u32 s31;
	s30 =	sadd.s32 $0x40, s31;
	[tilespmem:v17+s16+$0x0] =	vst.idx.add.f32.msk $0xffff, v16  }
0x4e: {  	p0 =	sne.s32 s31, $0x1FC0;
	v16 =	vld [tilespmem:s0+$0x1BE00];
	_ =	sdelay $0x4  }
0x4f: {  	v17 =	vshll.u32 v16, $0x7  }
0x50: {  	v16 =	vld [tilespmem:s28+$0xFFFFFFC0];
	v18 =	vor.u32 v6, v17;
	_ =	sdelay $0x4  }
0x51: {  	[tilespmem:v18+s16+$0x0] =	vst.idx.add.f32.msk $0xffff, v16  }
0x52: {  	v18 =	vor.u32 v9, v17;
	v16 =	vld [tilespmem:s28+$0xFFFFFFD0];
	_ =	sdelay $0x4  }
0x53: {  	[tilespmem:v18+s16+$0x0] =	vst.idx.add.f32.msk $0xffff, v16  }
0x54: {  	v18 =	vor.u32 v10, v17;
	v16 =	vld [tilespmem:s28+$0xFFFFFFE0];
	_ =	sdelay $0x4  }
0x55: {  	[tilespmem:v18+s16+$0x0] =	vst.idx.add.f32.msk $0xffff, v16  }
0x56: {  	v18 =	vor.u32 v11, v17;
	v16 =	vld [tilespmem:s28+$0xFFFFFFF0];
	_ =	sdelay $0x4  }
0x57: {  	[tilespmem:v18+s16+$0x0] =	vst.idx.add.f32.msk $0xffff, v16  }
0x58: {  	v18 =	vor.u32 v12, v17;
	v16 =	vld [tilespmem:s28+$0x0];
	_ =	sdelay $0x4  }
0x59: {  	[tilespmem:v18+s16+$0x0] =	vst.idx.add.f32.msk $0xffff, v16  }
0x5a: {  	v18 =	vor.u32 v13, v17;
	v16 =	vld [tilespmem:s28+$0x10];
	_ =	sdelay $0x4  }
0x5b: {  	[tilespmem:v18+s16+$0x0] =	vst.idx.add.f32.msk $0xffff, v16  }
0x5c: {  	v18 =	vor.u32 v14, v17;
	v16 =	vld [tilespmem:s28+$0x20];
	_ =	sdelay $0x1  }
.Ltmp0:
0x5d: {  	(pc) =	sbr.rel @p0 .LBB2_4-.Ltmp0, $3  }
0x5e: {  	_ =	sdelay $0x1  }
0x5f: {  	[tilespmem:v18+s16+$0x0] =	vst.idx.add.f32.msk $0xffff, v16  }
0x60: {  	s31 =	smov.u32 s30;
	v17 =	vor.u32 v15, v17;
	v16 =	vld [tilespmem:s28+$0x30]  }
0x61: {  	_ =	sdelay $0x3  }
0x62: {  	s0 =	sshra.s32 s29, $0x2;
	[tilespmem:v17+s16+$0x0] =	vst.idx.add.f32.msk $0xffff, v16  }
0x63: {  	v16 =	vld [tilespmem:s0+$0x1BE00];
	_ =	sdelay $0x4  }
0x64: {  	s31 =	sadd.s32 $0x80, s28;
	v16 =	vshll.u32 v16, $0x7  }
0x65: {  	v17 =	vld [tilespmem:s31+$0xFFFFFFC0];
	v18 =	vor.u32 v6, v16;
	_ =	sdelay $0x4  }
0x66: {  	[tilespmem:v18+s16+$0x0] =	vst.idx.add.f32.msk $0xffff, v17  }
0x67: {  	v58 =	vor.u32 v9, v16;
	v17 =	vld [tilespmem:s31+$0xFFFFFFD0];
	_ =	sdelay $0x4  }
0x68: {  	[tilespmem:v58+s16+$0x0] =	vst.idx.add.f32.msk $0xffff, v17  }
0x69: {  	v59 =	vor.u32 v10, v16;
	v17 =	vld [tilespmem:s31+$0xFFFFFFE0];
	_ =	sdelay $0x4  }
0x6a: {  	[tilespmem:v59+s16+$0x0] =	vst.idx.add.f32.msk $0xffff, v17  }
0x6b: {  	v60 =	vor.u32 v11, v16;
	v17 =	vld [tilespmem:s31+$0xFFFFFFF0];
	_ =	sdelay $0x4  }
0x6c: {  	[tilespmem:v60+s16+$0x0] =	vst.idx.add.f32.msk $0xffff, v17  }
0x6d: {  	v61 =	vor.u32 v12, v16;
	v17 =	vld [tilespmem:s31+$0x0];
	_ =	sdelay $0x4  }
0x6e: {  	[tilespmem:v61+s16+$0x0] =	vst.idx.add.f32.msk $0xffff, v17  }
0x6f: {  	v62 =	vor.u32 v13, v16;
	v17 =	vld [tilespmem:s31+$0x10];
	_ =	sdelay $0x4  }
0x70: {  	[tilespmem:v62+s16+$0x0] =	vst.idx.add.f32.msk $0xffff, v17  }
0x71: {  	v63 =	vor.u32 v14, v16;
	v17 =	vld [tilespmem:s31+$0x20];
	_ =	sdelay $0x4  }
0x72: {  	[tilespmem:v63+s16+$0x0] =	vst.idx.add.f32.msk $0xffff, v17  }
0x73: {  	v16 =	vor.u32 v15, v16;
	v17 =	vld [tilespmem:s31+$0x30];
	_ =	sdelay $0x4  }
0x74: {  	[tilespmem:v16+s16+$0x0] =	vst.idx.add.f32.msk $0xffff, v17  }
0x75: {  	v16 =	vld [tilespmem:$0x100];
	_ =	sdelay $0x2  }
0x76: {  	v17 =	vld [tilespmem:$0x80];
	_ =	sdelay $0x1  }
0x77: {  	vm0 =	vgt.s32 v16, $0xFFFFFFFF;
	_ =	sdelay $0x5  }
0x78: {  	[tilespmem:v17+s22+$0x0] =	vst.idx.msk vm0, v16  }
0x79: {  	v16 =	vld [tilespmem:$0x110];
	_ =	sdelay $0x2  }
0x7a: {  	v17 =	vld [tilespmem:$0x90];
	_ =	sdelay $0x1  }
0x7b: {  	vm9 =	vgt.s32 v16, $0xFFFFFFFF;
	_ =	sdelay $0x5  }
0x7c: {  	[tilespmem:v17+s22+$0x0] =	vst.idx.msk vm9, v16  }
0x7d: {  	v16 =	vld [tilespmem:$0x120];
	_ =	sdelay $0x2  }
0x7e: {  	v17 =	vld [tilespmem:$0xA0];
	_ =	sdelay $0x1  }
0x7f: {  	vm10 =	vgt.s32 v16, $0xFFFFFFFF;
	_ =	sdelay $0x5  }
0x80: {  	[tilespmem:v17+s22+$0x0] =	vst.idx.msk vm10, v16  }
0x81: {  	v16 =	vld [tilespmem:$0x130];
	_ =	sdelay $0x2  }
0x82: {  	v17 =	vld [tilespmem:$0xB0];
	_ =	sdelay $0x1  }
0x83: {  	vm11 =	vgt.s32 v16, $0xFFFFFFFF;
	_ =	sdelay $0x5  }
0x84: {  	[tilespmem:v17+s22+$0x0] =	vst.idx.msk vm11, v16  }
0x85: {  	v16 =	vld [tilespmem:$0x140];
	_ =	sdelay $0x2  }
0x86: {  	v17 =	vld [tilespmem:$0xC0];
	_ =	sdelay $0x1  }
0x87: {  	vm12 =	vgt.s32 v16, $0xFFFFFFFF;
	_ =	sdelay $0x5  }
0x88: {  	[tilespmem:v17+s22+$0x0] =	vst.idx.msk vm12, v16  }
0x89: {  	v16 =	vld [tilespmem:$0x150];
	_ =	sdelay $0x2  }
0x8a: {  	v17 =	vld [tilespmem:$0xD0];
	_ =	sdelay $0x1  }
0x8b: {  	vm13 =	vgt.s32 v16, $0xFFFFFFFF;
	_ =	sdelay $0x5  }
0x8c: {  	[tilespmem:v17+s22+$0x0] =	vst.idx.msk vm13, v16  }
0x8d: {  	v16 =	vld [tilespmem:$0x160];
	_ =	sdelay $0x2  }
0x8e: {  	v17 =	vld [tilespmem:$0xE0];
	_ =	sdelay $0x1  }
0x8f: {  	vm14 =	vgt.s32 v16, $0xFFFFFFFF;
	_ =	sdelay $0x5  }
0x90: {  	[tilespmem:v17+s22+$0x0] =	vst.idx.msk vm14, v16  }
0x91: {  	v16 =	vld [tilespmem:$0x170];
	_ =	sdelay $0x2  }
0x92: {  	v17 =	vld [tilespmem:$0xF0];
	_ =	sdelay $0x1  }
0x93: {  	s26 =	sadd.s32 $0x1, s26;
	vm15 =	vgt.s32 v16, $0xFFFFFFFF  }
0x94: {  	p0 =	sne.s32 s26, $0x15  }
.Ltmp1:
0x95: {  	_ = 	snop;
	(pc) =	sbr.rel @p0 .LBB2_3-.Ltmp1, $2  }
0x96: {  	_ =	sdelay $0x2  }
0x97: {  	[tilespmem:v17+s22+$0x0] =	vst.idx.msk vm15, v16  }
0x98: {  	s23 =	sadd.s32 $0x1, s23  }
0x99: {  	p0 =	sne.s32 s23, $0x4  }
.Ltmp2:
0x9a: {  	_ = 	snop;
	(pc) =	sbr.rel @p0 .LBB2_2-.Ltmp2, $4  }
0x9b: {  	[spmem:s2] =	stream.indirect.scatter.add.f32 [tilespmem:s16], [sflag:$0x2], $0x80, s22, s17, $0xb8;
	[tilespmem:$0x1C600] =	vst v63  }
0x9c: {  	_ =	swait.ge [sflag:s15], $0x4000  }
0x9d: {  	[sflag:s15] =	ssyncset.done $0x0  }
0x9e: {  	[sflag:s15] =	ssyncadd.s32 $0xFFFFC000  }
0x9f: {  	s4 =	sadd.s32 $0x1, s4  }
0xa0: {  	p0 =	sne.s32 s4, s13  }
.Ltmp3:
0xa1: {  	[bflag:$0x0] =	sbarrier.arrive $0xFFFF;
	(pc) =	sbr.rel @p0 .LBB2_1-.Ltmp3, $4  }
0xa2: {  	[hbm:s12], [sflag:s10] =	dma.local [spmem:s14], $0x2780  }
0xa3: {  	_ =	swait.ge [sflag:s15], $0x2780  }
0xa4: {  	[sflag:s15] =	ssyncset.done $0x0  }
0xa5: {  	[sflag:s15] =	ssyncadd.s32 $0xFFFFD880  }
0xa6: {  	_ =	sfence.sel $0x180000  }
0xa7: {  	[bflag:$0x0] =	sbarrier.arrive $0xFFFF  }
0xa8: {  	_ =	strace $0x90000053  }
0xa9: {  	[bflag:$0x2] =	sbarrier.arrive $0xFFFF  }
0xaa: {  	p0 =	sne.s32 s3, $0x0;
	s0 =	rddreg [dreg:$0x3]  }
0xab: {  	s0 =	sadd.s32 @!p0 $0x100000, s0  }
0xac: {  	[sflag:s0] =	ssyncadd.tile.s32 @!p0 $0x1;
	_ =	shalt  }
.Lfunc_end2:
_tile_overlayer_lowered:
.L_overlay_start_2:
0xad: {  	(tag) =	ssettag $0x2  }
0xae: {  	s0 =	rddreg [dreg:$0x0];
	s2 =	stileid.u32  }
0xaf: {  	s1 =	rddreg [dreg:$0x1];
	p0 =	sne.s32 s2, $0x0  }
0xb0: {  	s3 =	rddreg [dreg:$0x2];
	[bflag:$0x3] =	sbarrier.arrive $0xFFFF;
	s2 =	simm.s32 @!p0 $0x1C02  }
0xb1: {  	[timem:s3], [sflag:s2] =	dma.local @!p0 [hbm:s0], s1  }
0xb2: {  	s0 =	simm.s32 @!p0 $0x2  }
0xb3: {  	_ =	swait.ge @!p0 [sflag:s0], s1  }
0xb4: {  	s1 =	ssub.s32 @!p0 $0x0, s1;
	[sflag:s0] =	ssyncset.done @!p0 $0x0  }
0xb5: {  	[sflag:s0] =	ssyncadd.s32 @!p0 s1  }
0xb6: {  	[bflag:$0x3] =	sbarrier.arrive $0xFFFF  }
0xb7: {  	_ =	shalt  }

// kernel: gather_offload_async_start.1
scs
__scs_entry_jumppad:
0x0: {  	(pc) =	sbr.rel $0x88, $3  }
0x1: {  	(tag) =	ssettag $0x0;
	lr =	simm.s32 $0x1  }
0x2: {  	[smem:$0x3F9B] =	sst lr;
	_ =	strace $0xD0000000  }
0x3: {  	_ = 	snop  }
0x4: {  	_ = 	snop  }
0x5: {  	_ = 	snop  }
0x6: {  	_ = 	snop  }
0x7: {  	_ = 	snop  }
__scs_overlays_trampoline_lowered:
0x8: {  	[smem:$0x3FAA] =	sst s0  }
0x9: {  	[smem:$0x3FAB] =	sst s1  }
0xa: {  	[smem:$0x3FAC] =	sst s2  }
0xb: {  	[smem:$0x3FAD] =	sst s3  }
0xc: {  	[smem:$0x3FAE] =	sst s4  }
0xd: {  	[smem:$0x3FAF] =	sst s5  }
0xe: {  	[smem:$0x3FB0] =	sst s6  }
0xf: {  	[smem:$0x3FB1] =	sst s7  }
0x10: {  	[smem:$0x3FB2] =	sst s8  }
0x11: {  	[smem:$0x3FB3] =	sst s9;
	s0 =	simm.s32 @!p0 $0x0  }
0x12: {  	s1 =	sld [smem:$0x3F99];
	s0 =	simm.s32 @p0 $0x1  }
0x13: {  	[smem:$0x3FB4] =	sst s0;
	s0 =	simm.s32 @!p1 $0x0  }
0x14: {  	s2 =	sld [smem:$0x3F98];
	s0 =	simm.s32 @p1 $0x1  }
0x15: {  	[smem:$0x3FB5] =	sst s0;
	s0 =	simm.s32 @!p2 $0x0  }
0x16: {  	s3 =	sld [smem:$0x3FDB];
	s0 =	simm.s32 @p2 $0x1  }
0x17: {  	s4 =	simm.s32 $0x1BF5;
	[smem:$0x3FB7] =	sst s0  }
0x18: {  	s0 =	sld [smem:$0x3F9A];
	_ =	swait.ge [sflag:s4], $0x0  }
0x19: {  	s7 =	sld [smem:$0x3F9B]  }
0x1a: {  	s8 =	sadd.s32 $0xFFFFE003, lr  }
0x1b: {  	s9 =	sadd.s32 $0xFFFFFEF7, lr;
	s5 =	simm.s32 $0xFFFFFFFF;
	p2 =	slt.u32 s8, $0xFFFFF086  }
0x1c: {  	p1 =	slt.u32 s9, $0xF7A;
	s5 =	simm.s32 @!p2 $0x0  }
0x1d: {  	s5 =	simm.s32 @p1 $0x1;
	p0 =	seq.s32 s7, s2  }
0x1e: {  	s7 =	smul.u32 @!p0 $0xF7A, s2;
	p2 =	seq.s32 @!p0 s5, $0x0  }
0x1f: {  	s9 =	smul.u32 $0xF7A, s1;
	s8 =	simm.s32 @!p0 $0x1BF5;
	p2 =	por !p2, p0  }
0x20: {  	[sflag:s8] =	ssyncset.s32 @!p0 $0xFFFFF086;
	s6 =	sadd.s32 @!p0 s3, s7;
	s7 =	simm.s32 @!p0 $0x108  }
0x21: {  	s3 =	sadd.s32 s3, s9;
	s6 =	sadd.s32 @!p0 $0x88, s6;
	s7 =	simm.s32 @p2 $0x1082  }
0x22: {  	[simem:s7], [sflag:s8] =	dma.local @!p0 [hbm:s6], $0xF7A  }
0x23: {  	s9 =	sor.u32 $0xD0000000, s2;
	s6 =	simm.s32 $0x108;
	_ =	swait.ge @!p0 [sflag:s8], $0x0  }
0x24: {  	s3 =	sadd.s32 $0x88, s3;
	s6 =	simm.s32 @!p1 $0x1082;
	[sflag:s4] =	ssyncset.s32 $0xFFFFF086  }
0x25: {  	[simem:s6], [sflag:s4] =	dma.local [hbm:s3], $0xF7A  }
0x26: {  	[smem:$0x3F9B] =	sst s1;
	(tag) =	ssettag s2;
	_ =	strace s9  }
0x27: {  	s1 =	sld [smem:$0x3FAB]  }
0x28: {  	s2 =	sld [smem:$0x3FAC]  }
0x29: {  	s4 =	sld [smem:$0x3FAE]  }
0x2a: {  	p0 =	seq.s32 s5, $0x0;
	s5 =	sld [smem:$0x3FAF]  }
0x2b: {  	s6 =	sld [smem:$0x3FB0]  }
0x2c: {  	s7 =	sld [smem:$0x3FB1]  }
0x2d: {  	s3 =	simm.s32 $0x108;
	s8 =	sld [smem:$0x3FB2]  }
0x2e: {  	s3 =	simm.s32 @!p0 $0x1082;
	s9 =	sld [smem:$0x3FB3]  }
0x2f: {  	lr =	sadd.s32 s0, s3;
	s0 =	sld [smem:$0x3FAA]  }
0x30: {  	s3 =	sld [smem:$0x3FAD]  }
0x31: {  	[smem:$0x3FB6] =	sst s10  }
0x32: {  	s10 =	sld [smem:$0x3FB4];
	_ =	sdelay $0x3  }
0x33: {  	p0 =	seq.s32 s10, $0x1;
	s10 =	sld [smem:$0x3FB6];
	_ =	sdelay $0x3  }
0x34: {  	[smem:$0x3FB6] =	sst s10  }
0x35: {  	s10 =	sld [smem:$0x3FB5];
	_ =	sdelay $0x3  }
0x36: {  	p1 =	seq.s32 s10, $0x1;
	s10 =	sld [smem:$0x3FB6];
	_ =	sdelay $0x3  }
0x37: {  	[smem:$0x3FB6] =	sst s10  }
0x38: {  	s10 =	sld [smem:$0x3FB7]  }
0x39: {  	_ = 	snop;
	(pc) =	sbr.ind lr, $3  }
0x3a: {  	_ = 	snop  }
0x3b: {  	_ = 	snop  }
0x3c: {  	p2 =	seq.s32 s10, $0x1;
	s10 =	sld [smem:$0x3FB6]  }
0x3d: {  	_ =	shalt  }
0x3e: {  	_ =	shalt  }
0x3f: {  	_ =	shalt  }
0x40: {  	_ =	shalt  }
0x41: {  	_ =	shalt  }
0x42: {  	_ =	shalt  }
0x43: {  	_ =	shalt  }
0x44: {  	_ =	shalt  }
0x45: {  	_ =	shalt  }
0x46: {  	_ =	shalt  }
0x47: {  	_ =	shalt  }
0x48: {  	_ =	shalt  }
0x49: {  	_ =	shalt  }
0x4a: {  	_ =	shalt  }
0x4b: {  	_ =	shalt  }
0x4c: {  	_ =	shalt  }
0x4d: {  	_ =	shalt  }
0x4e: {  	_ =	shalt  }
0x4f: {  	_ =	shalt  }
0x50: {  	_ =	shalt  }
0x51: {  	_ =	shalt  }
0x52: {  	_ =	shalt  }
0x53: {  	_ =	shalt  }
0x54: {  	_ =	shalt  }
0x55: {  	_ =	shalt  }
0x56: {  	_ =	shalt  }
0x57: {  	_ =	shalt  }
0x58: {  	_ =	shalt  }
0x59: {  	_ =	shalt  }
0x5a: {  	_ =	shalt  }
0x5b: {  	_ =	shalt  }
0x5c: {  	_ =	shalt  }
0x5d: {  	_ =	shalt  }
0x5e: {  	_ =	shalt  }
0x5f: {  	_ =	shalt  }
0x60: {  	_ =	shalt  }
0x61: {  	_ =	shalt  }
0x62: {  	_ =	shalt  }
0x63: {  	_ =	shalt  }
0x64: {  	_ =	shalt  }
0x65: {  	_ =	shalt  }
0x66: {  	_ =	shalt  }
0x67: {  	_ =	shalt  }
0x68: {  	_ =	shalt  }
0x69: {  	_ =	shalt  }
0x6a: {  	_ =	shalt  }
0x6b: {  	_ =	shalt  }
0x6c: {  	_ =	shalt  }
0x6d: {  	_ =	shalt  }
0x6e: {  	_ =	shalt  }
0x6f: {  	_ =	shalt  }
0x70: {  	_ =	shalt  }
0x71: {  	_ =	shalt  }
0x72: {  	_ =	shalt  }
0x73: {  	_ =	shalt  }
0x74: {  	_ =	shalt  }
0x75: {  	_ =	shalt  }
0x76: {  	_ =	shalt  }
0x77: {  	_ =	shalt  }
0x78: {  	_ =	shalt  }
0x79: {  	_ =	shalt  }
0x7a: {  	_ =	shalt  }
0x7b: {  	_ =	shalt  }
0x7c: {  	_ =	shalt  }
0x7d: {  	_ =	shalt  }
0x7e: {  	_ =	shalt  }
0x7f: {  	_ =	shalt  }
0x80: {  	_ =	shalt  }
0x81: {  	_ =	shalt  }
0x82: {  	_ =	shalt  }
0x83: {  	_ =	shalt  }
0x84: {  	_ =	shalt  }
0x85: {  	_ =	shalt  }
0x86: {  	_ =	shalt  }
0x87: {  	_ =	shalt  }
.Lfunc_end0:
.L_simem_size_0:
called_computation.1_lowered:
.L_overlay_start_0:
0x88: {  	s2 =	sld [smem:$0x3FD9]  }
0x89: {  	s3 =	sld [smem:$0x3FFE];
	_ =	sdelay $0x1  }
0x8a: {  	s1 =	srdreg.scid  }
0x8b: {  	s0 =	sand.u32 $0x1, s1  }
0x8c: {  	s16 =	sshll.u32 s0, $0xA;
	s2 =	sadd.s32 s3, s2  }
0x8d: {  	s2 =	sadd.s32 s2, s16  }
0x8e: {  	[smem:$0x3FC2] =	sst s2  }
0x8f: {  	_ = 	snop  }
0x90: {  	(tm) =	ssettm $0x1  }
0x91: {  	s17 =	sld [smem:$0x3FFB];
	_ =	sdelay $0x3  }
0x92: {  	_ =	strace s17  }
0x93: {  	s2 =	sld [smem:$0x3FFC];
	_ =	sdelay $0x3  }
0x94: {  	_ =	strace s2  }
0x95: {  	s2 =	sld [smem:$0x3FFD];
	_ =	sdelay $0x3  }
0x96: {  	_ =	strace s2  }
0x97: {  	_ =	strace $0x8FFFFFFF  }
0x98: {  	s18 =	sld [smem:$0x3FDB];
	_ =	sdelay $0x1  }
0x99: {  	s19 =	simm.s32 $_scs_section_size  }
0x9a: {  	s4 =	simm.s32 $_size__tile_overlayer_lowered;
	s5 =	simm.s32 $_tile_overlayer_lowered  }
0x9b: {  	s22 =	simm.s32 $0x1BFF;
	s21 =	sshll.u32 s5, $0x1;
	s2 =	sadd.s32 s19, s18  }
0x9c: {  	s6 =	simm.s32 $0x0;
	s20 =	sshll.u32 s4, $0x1;
	s4 =	sadd.s32 s21, s2  }
0x9d: {  	[timem:s6], [sflag:s22] =	dma.local [hbm:s4], s20  }
0x9e: {  	_ =	swait.ge [sflag:s22], s20  }
0x9f: {  	s3 =	ssub.s32 $0x0, s20;
	[sflag:s22] =	ssyncset.done $0x0  }
0xa0: {  	[sflag:s22] =	ssyncadd.s32 s3;
	_ =	sdelay $0x1  }
0xa1: {  	s23 =	simm.s32 $0x1B8B  }
0xa2: {  	_ =	swait.ge [sflag:s23], $0x1  }
0xa3: {  	[sflag:s23] =	ssyncset.done $0x0  }
0xa4: {  	s25 =	simm.s32 $0x1B8E;
	s24 =	sld [smem:$0x3FFE];
	[sflag:s23] =	ssyncadd.s32 $0xFFFFFFFF  }
0xa5: {  	s26 =	simm.s32 $execute0_lowered;
	[smem:$0x3FD2] =	sst s25  }
0xa6: {  	s4 =	sshll.u32 s26, $0x1;
	_ =	strace $0x80000049;
	[dreg:$0x1] =	wrdreg $0xFFFFFFFF  }
0xa7: {  	s28 =	simm.s32 $_size_execute0_lowered;
	s2 =	sadd.s32 s2, s4;
	[dreg:$0x0] =	wrdreg $0x0  }
0xa8: {  	s4 =	sshll.u32 s28, $0x1;
	[dreg:$0x2] =	wrdreg s2  }
0xa9: {  	[dreg:$0x3] =	wrdreg s4  }
0xaa: {  	[dreg:$0x4] =	wrdreg $0xC0  }
0xab: {  	_ =	task [dreg:s6], $0x5FFFF  }
0xac: {  	[dreg:$0x1] =	wrdreg $0xFFFFFFFF  }
0xad: {  	[dreg:$0x0] =	wrdreg $0x60  }
0xae: {  	[dreg:$0x2] =	wrdreg s24  }
0xaf: {  	[dreg:$0x3] =	wrdreg $0x9  }
0xb0: {  	_ =	task.clear_ibuf [dreg:s6], $0x4FFFF;
	_ =	strace $0x90000049  }
0xb1: {  	s29 =	simm.s32 $0x9;
	_ =	strace $0x8000004B  }
0xb2: {  	_ =	swait.ge [sflag:s29], $0x1  }
0xb3: {  	[sflag:s29] =	ssyncadd.s32 $0xFFFFFFFF  }
0xb4: {  	_ =	strace $0x9000004B  }
0xb5: {  	_ =	sfence  }
0xb6: {  	s30 =	sld [smem:$0x0];
	_ =	sdelay $0x2  }
0xb7: {  	s31 =	sshll.u32 s1, $0xD;
	s1 =	sshrl.u32 s1, $0x2  }
0xb8: {  	s3 =	sand.u32 $0x4000, s31;
	s1 =	sadd.s32 s1, s30  }
0xb9: {  	s0 =	sor.u32 s3, s0;
	s1 =	sshll.u32 s1, $0x11  }
0xba: {  	s0 =	sor.u32 s1, s0  }
0xbb: {  	s0 =	sadd.s32 $0x8F2B, s0  }
0xbc: {  	[sflag:s0] =	ssyncadd.remote.s32 $0x1  }
0xbd: {  	_ =	sfence.sel $0xFFFF  }
0xbe: {  	[dreg:$0x0] =	wrdreg $0xFFFFFFFF;
	(pc) =	sbr.abs _section_cstart, $3  }
0xbf: {  	[dreg:$0x1] =	wrdreg $0xFFFFFFFF  }
0xc0: {  	_ =	task.clear_ibuf [dreg:s6], $0x2FFFF;
	_ =	strace $0x9FFFFFFF  }
0xc1: {  	(tm) =	ssettm $0x7FFFFFFF  }
tec
execute0_lowered:
.L_overlay_start_1:
0x0: {  	(tag) =	ssettag $0x1  }
0x1: {  	s8 =	rddreg [dreg:$0x0]  }
0x2: {  	s0 =	rddreg [dreg:$0x1];
	_ =	strace $0x8000004A;
	s1 =	stileid.u32  }
0x3: {  	s3 =	srdreg.scid;
	s4 =	simm.s32 $0x1;
	s7 =	simm.s32 $0x1  }
0x4: {  	s9 =	simm.s32 $0x1;
	s10 =	simm.s32 $0x3;
	s13 =	simm.s32 $0x0  }
0x5: {  	s12 =	simm.s32 $0x0;
	s5 =	sand.u32 $0x1, s3;
	s6 =	sshll.u32 s1, $0x1  }
0x6: {  	s2 =	sadd.s32 $0x1B000, s8;
	s3 =	sadd.s32 $0x2EC00, s8;
	s5 =	sor.u32 s6, s5  }
.Ltmp0:
0x7: {  	[sflag:s4] =	ssyncpa.u1 $0x0;
	p0 =	slt.u32 s5, $0x9;
	(pc) =	sbr.rel .LBB2_1-.Ltmp0, $4  }
0x8: {  	s6 =	simm.s32 $0x2;
	s7 =	simm.s32 @!p0 $0x0;
	p0 =	sne.s32 s5, $0x8  }
0x9: {  	[sflag:s6] =	ssyncpa.u1 $0x0;
	s5 =	smul.u32 $0x1F40, s5;
	s9 =	simm.s32 @!p0 $0x0  }
0xa: {  	s8 =	sadd.s32 $0x38A00, s8;
	[sflag:s10] =	ssyncpa.u1 $0x0;
	s7 =	sadd.s32 s9, s7  }
0xb: {  	vm0 =	vmmov $0xffff;
	s10 =	simm.s32 $0x0;
	s11 =	smov.u32 s5;
	s9 =	sadd.s32 $0x1, s7  }
.LBB2_4:
0xc: {  	v2 =	vnsel vm1, $0x0, v2  }
0xd: {  	vm1 =	vgt.s32 v0, $0x0;
	v2 =	vmin.u32 v2, $0x4E1FF  }
0xe: {  	v0 =	vnsel vm1, $0x0, v0  }
0xf: {  	v0 =	vmin.u32 v0, $0x4E1FF  }
0x10: {  	[tilespmem:s18], [sflag:$0x1] =	stream.indirect_vreg.gather [hbm4b:s2+s10], $0x1, v1, vm0, $0x4038;
	[tilespmem:$0x7D00] =	vst v63  }
0x11: {  	(ifvalue) =	ssetifvalue $0x7FFFFFFF  }
0x12: {  	[tilespmem:s15], [sflag:$0x1] =	stream.indirect_vreg.gather [hbm4b:s2+s10], $0x1, v2, vm0, $0x4038;
	[tilespmem:$0x7D00] =	vst v63  }
0x13: {  	s29 =	sadd.s32 $0x10, s15;
	(ifvalue) =	ssetifvalue $0x7FFFFFFF  }
0x14: {  	[tilespmem:s29], [sflag:$0x1] =	stream.indirect_vreg.gather [hbm4b:s2+s10], $0x1, v0, vm0, $0x4038;
	[tilespmem:$0x7D00] =	vst v63  }
0x15: {  	_ =	swait.ge [sflag:s4], $0x1F40  }
0x16: {  	s30 =	sshrl.u32 s13, $0x3;
	[sflag:s4] =	ssyncset.done $0x0  }
0x17: {  	s31 =	sand.u32 $0x7, s13;
	s15 =	sadd.s32 s8, s30;
	[sflag:s4] =	ssyncadd.s32 $0xFFFFE0C0  }
0x18: {  	[hbm4b:s15+s31] =	stream.linear.scatter [tilespmem:s14], [sflag:$0x3], $0x1F40, $0x38;
	[tilespmem:$0x7D00] =	vst v63  }
.LBB2_5:
0x19: {  	s15 =	sadd.s32 $0x3E800, s11  }
0x1a: {  	p1 =	sgt.s32 s15, $0x4E1FF  }
0x1b: {  	s15 =	smov.u32 @p1 s5;
	p1 =	sne.s32 s12, s9  }
.Ltmp1:
0x1c: {  	p0 =	slt.u32 s12, $0x2;
	(pc) =	sbr.rel @!p1 .LBB2_6-.Ltmp1, $4  }
0x1d: {  	s14 =	simm.s32 @!p0 $0x3  }
0x1e: {  	_ =	swait.ge @!p0 [sflag:s14], $0x1F40  }
0x1f: {  	s16 =	sadd.s32 $0x1, s12;
	s13 =	smov.u32 s11;
	[sflag:s14] =	ssyncset.done @!p0 $0x0  }
0x20: {  	s12 =	smov.u32 s16;
	s11 =	smov.u32 s15;
	[sflag:s14] =	ssyncadd.s32 @!p0 $0xFFFFE0C0  }
.LBB2_1:
0x21: {  	p0 =	sge.u32 s12, s7  }
0x22: {  	s14 =	sxor.u32 @!p0 $0x1, s12  }
0x23: {  	s14 =	smul.u32 @!p0 $0x7D00, s14  }
0x24: {  	s31 =	sadd.s32 $0xFFFFFFFF, s12;
	s15 =	sshrl.u32 @!p0 s11, $0x3  }
0x25: {  	s16 =	sand.u32 @!p0 $0x7, s11;
	s15 =	sadd.s32 @!p0 s3, s15;
	s14 =	sshra.s32 @!p0 s14, $0x2  }
0x26: {  	[tilespmem:s14], [sflag:$0x2] =	stream.linear.gather @!p0 [hbm4b:s15+s16], $0x1F40, $0x38;
	[tilespmem:$0x7D00] =	vst v63  }
0x27: {  	p0 =	sge.u32 s31, s7  }
.Ltmp2:
0x28: {  	_ = 	snop;
	(pc) =	sbr.rel @p0 .LBB2_5-.Ltmp2, $1  }
0x29: {  	_ =	sdelay $0x3  }
0x2a: {  	s14 =	sand.u32 $0x1, s12  }
0x2b: {  	_ =	swait.ge [sflag:s6], $0x1F40;
	p0 =	seq.s32 s14, $0x1;
	s14 =	simm.s32 $0x1F40  }
0x2c: {  	[sflag:s6] =	ssyncset.done $0x0;
	s14 =	simm.s32 @!p0 $0x0  }
0x2d: {  	[sflag:s6] =	ssyncadd.s32 $0xFFFFE0C0;
	(ifvalue) =	ssetifvalue $0x7FFFFFFF;
	v0 =	vld.msk [tilespmem:s14+$0x0 ss:$0x1], $0xffff;
	_ =	sdelay $0x4  }
0x2e: {  	s15 =	sadd.s32 $0x10, s14;
	vm1 =	vgt.s32 v0, $0x0  }
0x2f: {  	v2 =	vld.msk [tilespmem:s15+$0x0 ss:$0x1], $0xffff;
	v1 =	vnsel vm1, $0x0, v0  }
0x30: {  	v1 =	vmin.u32 v1, $0x4E1FF;
	_ =	sdelay $0x2  }
0x31: {  	s17 =	simm.s32 $0x20;
	s14 =	sadd.s32 $0x3E80, s14;
	s16 =	sadd.s32 $0x10, s15  }
0x32: {  	s15 =	sadd.s32 $0x10, s14;
	s18 =	smov.u32 s14;
	v0 =	vld.msk [tilespmem:s16+$0x0 ss:$0x1], $0xffff;
	vm1 =	vgt.s32 v2, $0x0;
	(ifvalue) =	ssetifvalue $0x7FFFFFFF  }
.LBB2_3:
0x33: {  	[tilespmem:s18], [sflag:$0x1] =	stream.indirect_vreg.gather [hbm4b:s2+s10], $0x1, v1, vm0, $0x4038;
	[tilespmem:$0x7D00] =	vst v63  }
0x34: {  	s17 =	sadd.s32 $0x10, s17  }
0x35: {  	v2 =	vnsel vm1, $0x0, v2;
	p0 =	slt.u32 s17, $0x1F30  }
.Ltmp3:
0x36: {  	s18 =	smov.u32 s15;
	v1 =	vmin.u32 v2, $0x4E1FF;
	(pc) =	sbr.rel @p0 .LBB2_3-.Ltmp3, $3  }
0x37: {  	_ =	sdelay $0x1  }
0x38: {  	s16 =	sadd.s32 $0x10, s16  }
0x39: {  	vm1 =	vgt.s32 v0, $0x0;
	s15 =	sadd.s32 $0x10, s15;
	v2 =	vmov v0;
	(ifvalue) =	ssetifvalue $0x7FFFFFFF;
	v0 =	vld.msk [tilespmem:s16+$0x0 ss:$0x1], $0xffff  }
.Ltmp4:
0x3a: {  	_ = 	snop;
	(pc) =	sbr.rel .LBB2_4-.Ltmp4, $1  }
0x3b: {  	_ =	sdelay $0x3  }
.LBB2_6:
0x3c: {  	_ =	sfence.sel $0x180000  }
0x3d: {  	s2 =	simm.s32 $0x2;
	[bflag:$0x0] =	sbarrier.arrive $0xFFFF  }
0x3e: {  	s30 =	simm.s32 $0x3;
	[sflag:s2] =	ssyncpa.u1 $0x1  }
0x3f: {  	s31 =	simm.s32 $0x1;
	[sflag:s30] =	ssyncpa.u1 $0x1  }
0x40: {  	[sflag:s31] =	ssyncpa.u1 $0x1  }
0x41: {  	p0 =	sne.s32 s1, $0x0;
	_ =	strace $0x9000004A  }
0x42: {  	s0 =	sadd.s32 @!p0 $0x100000, s0;
	[bflag:$0x2] =	sbarrier.arrive $0xFFFF  }
0x43: {  	[sflag:s0] =	ssyncadd.tile.s32 @!p0 $0x1;
	_ =	shalt  }
.Lfunc_end2:
_tile_overlayer_lowered:
.L_overlay_start_2:
0x44: {  	(tag) =	ssettag $0x2  }
0x45: {  	s0 =	rddreg [dreg:$0x0];
	s2 =	stileid.u32  }
0x46: {  	s1 =	rddreg [dreg:$0x1];
	p0 =	sne.s32 s2, $0x0  }
0x47: {  	s3 =	rddreg [dreg:$0x2];
	[bflag:$0x3] =	sbarrier.arrive $0xFFFF;
	s2 =	simm.s32 @!p0 $0x1C01  }
0x48: {  	[timem:s3], [sflag:s2] =	dma.local @!p0 [hbm:s0], s1  }
0x49: {  	s0 =	simm.s32 @!p0 $0x1  }
0x4a: {  	_ =	swait.ge @!p0 [sflag:s0], s1  }
0x4b: {  	s1 =	ssub.s32 @!p0 $0x0, s1;
	[sflag:s0] =	ssyncset.done @!p0 $0x0  }
0x4c: {  	[sflag:s0] =	ssyncadd.s32 @!p0 s1  }
0x4d: {  	[bflag:$0x3] =	sbarrier.arrive $0xFFFF  }
0x4e: {  	_ =	shalt  }

// kernel: gather_offload_async_start.2
scs
__scs_entry_jumppad:
0x0: {  	(pc) =	sbr.rel $0x88, $3  }
0x1: {  	(tag) =	ssettag $0x0;
	lr =	simm.s32 $0x1  }
0x2: {  	[smem:$0x3F9B] =	sst lr;
	_ =	strace $0xD0000000  }
0x3: {  	_ = 	snop  }
0x4: {  	_ = 	snop  }
0x5: {  	_ = 	snop  }
0x6: {  	_ = 	snop  }
0x7: {  	_ = 	snop  }
__scs_overlays_trampoline_lowered:
0x8: {  	[smem:$0x3FAA] =	sst s0  }
0x9: {  	[smem:$0x3FAB] =	sst s1  }
0xa: {  	[smem:$0x3FAC] =	sst s2  }
0xb: {  	[smem:$0x3FAD] =	sst s3  }
0xc: {  	[smem:$0x3FAE] =	sst s4  }
0xd: {  	[smem:$0x3FAF] =	sst s5  }
0xe: {  	[smem:$0x3FB0] =	sst s6  }
0xf: {  	[smem:$0x3FB1] =	sst s7  }
0x10: {  	[smem:$0x3FB2] =	sst s8  }
0x11: {  	[smem:$0x3FB3] =	sst s9;
	s0 =	simm.s32 @!p0 $0x0  }
0x12: {  	s1 =	sld [smem:$0x3F99];
	s0 =	simm.s32 @p0 $0x1  }
0x13: {  	[smem:$0x3FB4] =	sst s0;
	s0 =	simm.s32 @!p1 $0x0  }
0x14: {  	s2 =	sld [smem:$0x3F98];
	s0 =	simm.s32 @p1 $0x1  }
0x15: {  	[smem:$0x3FB5] =	sst s0;
	s0 =	simm.s32 @!p2 $0x0  }
0x16: {  	s3 =	sld [smem:$0x3FDB];
	s0 =	simm.s32 @p2 $0x1  }
0x17: {  	s4 =	simm.s32 $0x1BF5;
	[smem:$0x3FB7] =	sst s0  }
0x18: {  	s0 =	sld [smem:$0x3F9A];
	_ =	swait.ge [sflag:s4], $0x0  }
0x19: {  	s7 =	sld [smem:$0x3F9B]  }
0x1a: {  	s8 =	sadd.s32 $0xFFFFE003, lr  }
0x1b: {  	s9 =	sadd.s32 $0xFFFFFEF7, lr;
	s5 =	simm.s32 $0xFFFFFFFF;
	p2 =	slt.u32 s8, $0xFFFFF086  }
0x1c: {  	p1 =	slt.u32 s9, $0xF7A;
	s5 =	simm.s32 @!p2 $0x0  }
0x1d: {  	s5 =	simm.s32 @p1 $0x1;
	p0 =	seq.s32 s7, s2  }
0x1e: {  	s7 =	smul.u32 @!p0 $0xF7A, s2;
	p2 =	seq.s32 @!p0 s5, $0x0  }
0x1f: {  	s9 =	smul.u32 $0xF7A, s1;
	s8 =	simm.s32 @!p0 $0x1BF5;
	p2 =	por !p2, p0  }
0x20: {  	[sflag:s8] =	ssyncset.s32 @!p0 $0xFFFFF086;
	s6 =	sadd.s32 @!p0 s3, s7;
	s7 =	simm.s32 @!p0 $0x108  }
0x21: {  	s3 =	sadd.s32 s3, s9;
	s6 =	sadd.s32 @!p0 $0x88, s6;
	s7 =	simm.s32 @p2 $0x1082  }
0x22: {  	[simem:s7], [sflag:s8] =	dma.local @!p0 [hbm:s6], $0xF7A  }
0x23: {  	s9 =	sor.u32 $0xD0000000, s2;
	s6 =	simm.s32 $0x108;
	_ =	swait.ge @!p0 [sflag:s8], $0x0  }
0x24: {  	s3 =	sadd.s32 $0x88, s3;
	s6 =	simm.s32 @!p1 $0x1082;
	[sflag:s4] =	ssyncset.s32 $0xFFFFF086  }
0x25: {  	[simem:s6], [sflag:s4] =	dma.local [hbm:s3], $0xF7A  }
0x26: {  	[smem:$0x3F9B] =	sst s1;
	(tag) =	ssettag s2;
	_ =	strace s9  }
0x27: {  	s1 =	sld [smem:$0x3FAB]  }
0x28: {  	s2 =	sld [smem:$0x3FAC]  }
0x29: {  	s4 =	sld [smem:$0x3FAE]  }
0x2a: {  	p0 =	seq.s32 s5, $0x0;
	s5 =	sld [smem:$0x3FAF]  }
0x2b: {  	s6 =	sld [smem:$0x3FB0]  }
0x2c: {  	s7 =	sld [smem:$0x3FB1]  }
0x2d: {  	s3 =	simm.s32 $0x108;
	s8 =	sld [smem:$0x3FB2]  }
0x2e: {  	s3 =	simm.s32 @!p0 $0x1082;
	s9 =	sld [smem:$0x3FB3]  }
0x2f: {  	lr =	sadd.s32 s0, s3;
	s0 =	sld [smem:$0x3FAA]  }
0x30: {  	s3 =	sld [smem:$0x3FAD]  }
0x31: {  	[smem:$0x3FB6] =	sst s10  }
0x32: {  	s10 =	sld [smem:$0x3FB4];
	_ =	sdelay $0x3  }
0x33: {  	p0 =	seq.s32 s10, $0x1;
	s10 =	sld [smem:$0x3FB6];
	_ =	sdelay $0x3  }
0x34: {  	[smem:$0x3FB6] =	sst s10  }
0x35: {  	s10 =	sld [smem:$0x3FB5];
	_ =	sdelay $0x3  }
0x36: {  	p1 =	seq.s32 s10, $0x1;
	s10 =	sld [smem:$0x3FB6];
	_ =	sdelay $0x3  }
0x37: {  	[smem:$0x3FB6] =	sst s10  }
0x38: {  	s10 =	sld [smem:$0x3FB7]  }
0x39: {  	_ = 	snop;
	(pc) =	sbr.ind lr, $3  }
0x3a: {  	_ = 	snop  }
0x3b: {  	_ = 	snop  }
0x3c: {  	p2 =	seq.s32 s10, $0x1;
	s10 =	sld [smem:$0x3FB6]  }
0x3d: {  	_ =	shalt  }
0x3e: {  	_ =	shalt  }
0x3f: {  	_ =	shalt  }
0x40: {  	_ =	shalt  }
0x41: {  	_ =	shalt  }
0x42: {  	_ =	shalt  }
0x43: {  	_ =	shalt  }
0x44: {  	_ =	shalt  }
0x45: {  	_ =	shalt  }
0x46: {  	_ =	shalt  }
0x47: {  	_ =	shalt  }
0x48: {  	_ =	shalt  }
0x49: {  	_ =	shalt  }
0x4a: {  	_ =	shalt  }
0x4b: {  	_ =	shalt  }
0x4c: {  	_ =	shalt  }
0x4d: {  	_ =	shalt  }
0x4e: {  	_ =	shalt  }
0x4f: {  	_ =	shalt  }
0x50: {  	_ =	shalt  }
0x51: {  	_ =	shalt  }
0x52: {  	_ =	shalt  }
0x53: {  	_ =	shalt  }
0x54: {  	_ =	shalt  }
0x55: {  	_ =	shalt  }
0x56: {  	_ =	shalt  }
0x57: {  	_ =	shalt  }
0x58: {  	_ =	shalt  }
0x59: {  	_ =	shalt  }
0x5a: {  	_ =	shalt  }
0x5b: {  	_ =	shalt  }
0x5c: {  	_ =	shalt  }
0x5d: {  	_ =	shalt  }
0x5e: {  	_ =	shalt  }
0x5f: {  	_ =	shalt  }
0x60: {  	_ =	shalt  }
0x61: {  	_ =	shalt  }
0x62: {  	_ =	shalt  }
0x63: {  	_ =	shalt  }
0x64: {  	_ =	shalt  }
0x65: {  	_ =	shalt  }
0x66: {  	_ =	shalt  }
0x67: {  	_ =	shalt  }
0x68: {  	_ =	shalt  }
0x69: {  	_ =	shalt  }
0x6a: {  	_ =	shalt  }
0x6b: {  	_ =	shalt  }
0x6c: {  	_ =	shalt  }
0x6d: {  	_ =	shalt  }
0x6e: {  	_ =	shalt  }
0x6f: {  	_ =	shalt  }
0x70: {  	_ =	shalt  }
0x71: {  	_ =	shalt  }
0x72: {  	_ =	shalt  }
0x73: {  	_ =	shalt  }
0x74: {  	_ =	shalt  }
0x75: {  	_ =	shalt  }
0x76: {  	_ =	shalt  }
0x77: {  	_ =	shalt  }
0x78: {  	_ =	shalt  }
0x79: {  	_ =	shalt  }
0x7a: {  	_ =	shalt  }
0x7b: {  	_ =	shalt  }
0x7c: {  	_ =	shalt  }
0x7d: {  	_ =	shalt  }
0x7e: {  	_ =	shalt  }
0x7f: {  	_ =	shalt  }
0x80: {  	_ =	shalt  }
0x81: {  	_ =	shalt  }
0x82: {  	_ =	shalt  }
0x83: {  	_ =	shalt  }
0x84: {  	_ =	shalt  }
0x85: {  	_ =	shalt  }
0x86: {  	_ =	shalt  }
0x87: {  	_ =	shalt  }
.Lfunc_end0:
.L_simem_size_0:
called_computation.2_lowered:
.L_overlay_start_0:
0x88: {  	s2 =	sld [smem:$0x3FD9]  }
0x89: {  	s3 =	sld [smem:$0x3FFE];
	_ =	sdelay $0x1  }
0x8a: {  	s1 =	srdreg.scid  }
0x8b: {  	s0 =	sand.u32 $0x1, s1  }
0x8c: {  	s16 =	sshll.u32 s0, $0xA;
	s2 =	sadd.s32 s3, s2  }
0x8d: {  	s2 =	sadd.s32 s2, s16  }
0x8e: {  	[smem:$0x3FC2] =	sst s2  }
0x8f: {  	_ = 	snop  }
0x90: {  	(tm) =	ssettm $0x1  }
0x91: {  	s17 =	sld [smem:$0x3FFB];
	_ =	sdelay $0x3  }
0x92: {  	_ =	strace s17  }
0x93: {  	s2 =	sld [smem:$0x3FFC];
	_ =	sdelay $0x3  }
0x94: {  	_ =	strace s2  }
0x95: {  	s2 =	sld [smem:$0x3FFD];
	_ =	sdelay $0x3  }
0x96: {  	_ =	strace s2  }
0x97: {  	_ =	strace $0x8FFFFFFF  }
0x98: {  	s18 =	sld [smem:$0x3FDB];
	_ =	sdelay $0x1  }
0x99: {  	s19 =	simm.s32 $_scs_section_size  }
0x9a: {  	s4 =	simm.s32 $_size__tile_overlayer_lowered;
	s5 =	simm.s32 $_tile_overlayer_lowered  }
0x9b: {  	s22 =	simm.s32 $0x1BFF;
	s21 =	sshll.u32 s5, $0x1;
	s2 =	sadd.s32 s19, s18  }
0x9c: {  	s6 =	simm.s32 $0x0;
	s20 =	sshll.u32 s4, $0x1;
	s4 =	sadd.s32 s21, s2  }
0x9d: {  	[timem:s6], [sflag:s22] =	dma.local [hbm:s4], s20  }
0x9e: {  	_ =	swait.ge [sflag:s22], s20  }
0x9f: {  	s3 =	ssub.s32 $0x0, s20;
	[sflag:s22] =	ssyncset.done $0x0  }
0xa0: {  	[sflag:s22] =	ssyncadd.s32 s3;
	_ =	sdelay $0x1  }
0xa1: {  	s23 =	simm.s32 $0x1B8B  }
0xa2: {  	_ =	swait.ge [sflag:s23], $0x1  }
0xa3: {  	[sflag:s23] =	ssyncset.done $0x0  }
0xa4: {  	s25 =	simm.s32 $0x1B8E;
	s24 =	sld [smem:$0x3FFE];
	[sflag:s23] =	ssyncadd.s32 $0xFFFFFFFF  }
0xa5: {  	s26 =	simm.s32 $execute0_lowered;
	[smem:$0x3FD2] =	sst s25  }
0xa6: {  	s4 =	sshll.u32 s26, $0x1;
	_ =	strace $0x80000046;
	[dreg:$0x1] =	wrdreg $0xFFFFFFFF  }
0xa7: {  	s28 =	simm.s32 $_size_execute0_lowered;
	s2 =	sadd.s32 s2, s4;
	[dreg:$0x0] =	wrdreg $0x0  }
0xa8: {  	s4 =	sshll.u32 s28, $0x1;
	[dreg:$0x2] =	wrdreg s2  }
0xa9: {  	[dreg:$0x3] =	wrdreg s4  }
0xaa: {  	[dreg:$0x4] =	wrdreg $0xC0  }
0xab: {  	_ =	task [dreg:s6], $0x5FFFF  }
0xac: {  	[dreg:$0x1] =	wrdreg $0xFFFFFFFF  }
0xad: {  	[dreg:$0x0] =	wrdreg $0x60  }
0xae: {  	[dreg:$0x2] =	wrdreg s24  }
0xaf: {  	[dreg:$0x3] =	wrdreg $0x9  }
0xb0: {  	_ =	task.clear_ibuf [dreg:s6], $0x4FFFF;
	_ =	strace $0x90000046  }
0xb1: {  	s29 =	simm.s32 $0x9;
	_ =	strace $0x80000048  }
0xb2: {  	_ =	swait.ge [sflag:s29], $0x1  }
0xb3: {  	[sflag:s29] =	ssyncadd.s32 $0xFFFFFFFF  }
0xb4: {  	_ =	strace $0x90000048  }
0xb5: {  	_ =	sfence  }
0xb6: {  	s30 =	sld [smem:$0x0];
	_ =	sdelay $0x2  }
0xb7: {  	s31 =	sshll.u32 s1, $0xD;
	s1 =	sshrl.u32 s1, $0x2  }
0xb8: {  	s3 =	sand.u32 $0x4000, s31;
	s1 =	sadd.s32 s1, s30  }
0xb9: {  	s0 =	sor.u32 s3, s0;
	s1 =	sshll.u32 s1, $0x11  }
0xba: {  	s0 =	sor.u32 s1, s0  }
0xbb: {  	s0 =	sadd.s32 $0x8F2B, s0  }
0xbc: {  	[sflag:s0] =	ssyncadd.remote.s32 $0x1  }
0xbd: {  	_ =	sfence.sel $0xFFFF  }
0xbe: {  	[dreg:$0x0] =	wrdreg $0xFFFFFFFF;
	(pc) =	sbr.abs _section_cstart, $3  }
0xbf: {  	[dreg:$0x1] =	wrdreg $0xFFFFFFFF  }
0xc0: {  	_ =	task.clear_ibuf [dreg:s6], $0x2FFFF;
	_ =	strace $0x9FFFFFFF  }
0xc1: {  	(tm) =	ssettm $0x7FFFFFFF  }
tec
execute0_lowered:
.L_overlay_start_1:
0x0: {  	(tag) =	ssettag $0x1  }
0x1: {  	s8 =	rddreg [dreg:$0x0]  }
0x2: {  	s0 =	rddreg [dreg:$0x1];
	_ =	strace $0x80000047;
	s1 =	stileid.u32  }
0x3: {  	s3 =	srdreg.scid;
	s4 =	simm.s32 $0x1;
	s7 =	simm.s32 $0x1  }
0x4: {  	s9 =	simm.s32 $0x1;
	s10 =	simm.s32 $0x3;
	s13 =	simm.s32 $0x0  }
0x5: {  	s12 =	simm.s32 $0x0;
	s5 =	sand.u32 $0x1, s3;
	s6 =	sshll.u32 s1, $0x1  }
0x6: {  	s2 =	sadd.s32 $0x24E00, s8;
	s3 =	sadd.s32 $0x2EC00, s8;
	s5 =	sor.u32 s6, s5  }
.Ltmp0:
0x7: {  	[sflag:s4] =	ssyncpa.u1 $0x0;
	p0 =	slt.u32 s5, $0x9;
	(pc) =	sbr.rel .LBB2_1-.Ltmp0, $4  }
0x8: {  	s6 =	simm.s32 $0x2;
	s7 =	simm.s32 @!p0 $0x0;
	p0 =	sne.s32 s5, $0x8  }
0x9: {  	[sflag:s6] =	ssyncpa.u1 $0x0;
	s5 =	smul.u32 $0x1F40, s5;
	s9 =	simm.s32 @!p0 $0x0  }
0xa: {  	s8 =	sadd.s32 $0x75000, s8;
	[sflag:s10] =	ssyncpa.u1 $0x0;
	s7 =	sadd.s32 s9, s7  }
0xb: {  	vm0 =	vmmov $0xffff;
	s10 =	simm.s32 $0x0;
	s11 =	smov.u32 s5;
	s9 =	sadd.s32 $0x1, s7  }
.LBB2_4:
0xc: {  	v2 =	vnsel vm1, $0x0, v2  }
0xd: {  	vm1 =	vgt.s32 v0, $0x0;
	v2 =	vmin.u32 v2, $0x4E1FF  }
0xe: {  	v0 =	vnsel vm1, $0x0, v0  }
0xf: {  	v0 =	vmin.u32 v0, $0x4E1FF  }
0x10: {  	[tilespmem:s18], [sflag:$0x1] =	stream.indirect_vreg.gather [hbm4b:s2+s10], $0x1, v1, vm0, $0x4038;
	[tilespmem:$0x7D00] =	vst v63  }
0x11: {  	(ifvalue) =	ssetifvalue $0x7FFFFFFF  }
0x12: {  	[tilespmem:s15], [sflag:$0x1] =	stream.indirect_vreg.gather [hbm4b:s2+s10], $0x1, v2, vm0, $0x4038;
	[tilespmem:$0x7D00] =	vst v63  }
0x13: {  	s29 =	sadd.s32 $0x10, s15;
	(ifvalue) =	ssetifvalue $0x7FFFFFFF  }
0x14: {  	[tilespmem:s29], [sflag:$0x1] =	stream.indirect_vreg.gather [hbm4b:s2+s10], $0x1, v0, vm0, $0x4038;
	[tilespmem:$0x7D00] =	vst v63  }
0x15: {  	_ =	swait.ge [sflag:s4], $0x1F40  }
0x16: {  	s30 =	sshrl.u32 s13, $0x3;
	[sflag:s4] =	ssyncset.done $0x0  }
0x17: {  	s31 =	sand.u32 $0x7, s13;
	s15 =	sadd.s32 s8, s30;
	[sflag:s4] =	ssyncadd.s32 $0xFFFFE0C0  }
0x18: {  	[hbm4b:s15+s31] =	stream.linear.scatter [tilespmem:s14], [sflag:$0x3], $0x1F40, $0x38;
	[tilespmem:$0x7D00] =	vst v63  }
.LBB2_5:
0x19: {  	s15 =	sadd.s32 $0x3E800, s11  }
0x1a: {  	p1 =	sgt.s32 s15, $0x4E1FF  }
0x1b: {  	s15 =	smov.u32 @p1 s5;
	p1 =	sne.s32 s12, s9  }
.Ltmp1:
0x1c: {  	p0 =	slt.u32 s12, $0x2;
	(pc) =	sbr.rel @!p1 .LBB2_6-.Ltmp1, $4  }
0x1d: {  	s14 =	simm.s32 @!p0 $0x3  }
0x1e: {  	_ =	swait.ge @!p0 [sflag:s14], $0x1F40  }
0x1f: {  	s16 =	sadd.s32 $0x1, s12;
	s13 =	smov.u32 s11;
	[sflag:s14] =	ssyncset.done @!p0 $0x0  }
0x20: {  	s12 =	smov.u32 s16;
	s11 =	smov.u32 s15;
	[sflag:s14] =	ssyncadd.s32 @!p0 $0xFFFFE0C0  }
.LBB2_1:
0x21: {  	p0 =	sge.u32 s12, s7  }
0x22: {  	s14 =	sxor.u32 @!p0 $0x1, s12  }
0x23: {  	s14 =	smul.u32 @!p0 $0x7D00, s14  }
0x24: {  	s31 =	sadd.s32 $0xFFFFFFFF, s12;
	s15 =	sshrl.u32 @!p0 s11, $0x3  }
0x25: {  	s16 =	sand.u32 @!p0 $0x7, s11;
	s15 =	sadd.s32 @!p0 s3, s15;
	s14 =	sshra.s32 @!p0 s14, $0x2  }
0x26: {  	[tilespmem:s14], [sflag:$0x2] =	stream.linear.gather @!p0 [hbm4b:s15+s16], $0x1F40, $0x38;
	[tilespmem:$0x7D00] =	vst v63  }
0x27: {  	p0 =	sge.u32 s31, s7  }
.Ltmp2:
0x28: {  	_ = 	snop;
	(pc) =	sbr.rel @p0 .LBB2_5-.Ltmp2, $1  }
0x29: {  	_ =	sdelay $0x3  }
0x2a: {  	s14 =	sand.u32 $0x1, s12  }
0x2b: {  	_ =	swait.ge [sflag:s6], $0x1F40;
	p0 =	seq.s32 s14, $0x1;
	s14 =	simm.s32 $0x1F40  }
0x2c: {  	[sflag:s6] =	ssyncset.done $0x0;
	s14 =	simm.s32 @!p0 $0x0  }
0x2d: {  	[sflag:s6] =	ssyncadd.s32 $0xFFFFE0C0;
	(ifvalue) =	ssetifvalue $0x7FFFFFFF;
	v0 =	vld.msk [tilespmem:s14+$0x0 ss:$0x1], $0xffff;
	_ =	sdelay $0x4  }
0x2e: {  	s15 =	sadd.s32 $0x10, s14;
	vm1 =	vgt.s32 v0, $0x0  }
0x2f: {  	v2 =	vld.msk [tilespmem:s15+$0x0 ss:$0x1], $0xffff;
	v1 =	vnsel vm1, $0x0, v0  }
0x30: {  	v1 =	vmin.u32 v1, $0x4E1FF;
	_ =	sdelay $0x2  }
0x31: {  	s17 =	simm.s32 $0x20;
	s14 =	sadd.s32 $0x3E80, s14;
	s16 =	sadd.s32 $0x10, s15  }
0x32: {  	s15 =	sadd.s32 $0x10, s14;
	s18 =	smov.u32 s14;
	v0 =	vld.msk [tilespmem:s16+$0x0 ss:$0x1], $0xffff;
	vm1 =	vgt.s32 v2, $0x0;
	(ifvalue) =	ssetifvalue $0x7FFFFFFF  }
.LBB2_3:
0x33: {  	[tilespmem:s18], [sflag:$0x1] =	stream.indirect_vreg.gather [hbm4b:s2+s10], $0x1, v1, vm0, $0x4038;
	[tilespmem:$0x7D00] =	vst v63  }
0x34: {  	s17 =	sadd.s32 $0x10, s17  }
0x35: {  	v2 =	vnsel vm1, $0x0, v2;
	p0 =	slt.u32 s17, $0x1F30  }
.Ltmp3:
0x36: {  	s18 =	smov.u32 s15;
	v1 =	vmin.u32 v2, $0x4E1FF;
	(pc) =	sbr.rel @p0 .LBB2_3-.Ltmp3, $3  }
0x37: {  	_ =	sdelay $0x1  }
0x38: {  	s16 =	sadd.s32 $0x10, s16  }
0x39: {  	vm1 =	vgt.s32 v0, $0x0;
	s15 =	sadd.s32 $0x10, s15;
	v2 =	vmov v0;
	(ifvalue) =	ssetifvalue $0x7FFFFFFF;
	v0 =	vld.msk [tilespmem:s16+$0x0 ss:$0x1], $0xffff  }
.Ltmp4:
0x3a: {  	_ = 	snop;
	(pc) =	sbr.rel .LBB2_4-.Ltmp4, $1  }
0x3b: {  	_ =	sdelay $0x3  }
.LBB2_6:
0x3c: {  	_ =	sfence.sel $0x180000  }
0x3d: {  	s2 =	simm.s32 $0x2;
	[bflag:$0x0] =	sbarrier.arrive $0xFFFF  }
0x3e: {  	s30 =	simm.s32 $0x3;
	[sflag:s2] =	ssyncpa.u1 $0x1  }
0x3f: {  	s31 =	simm.s32 $0x1;
	[sflag:s30] =	ssyncpa.u1 $0x1  }
0x40: {  	[sflag:s31] =	ssyncpa.u1 $0x1  }
0x41: {  	p0 =	sne.s32 s1, $0x0;
	_ =	strace $0x90000047  }
0x42: {  	s0 =	sadd.s32 @!p0 $0x100000, s0;
	[bflag:$0x2] =	sbarrier.arrive $0xFFFF  }
0x43: {  	[sflag:s0] =	ssyncadd.tile.s32 @!p0 $0x1;
	_ =	shalt  }
.Lfunc_end2:
_tile_overlayer_lowered:
.L_overlay_start_2:
0x44: {  	(tag) =	ssettag $0x2  }
0x45: {  	s0 =	rddreg [dreg:$0x0];
	s2 =	stileid.u32  }
0x46: {  	s1 =	rddreg [dreg:$0x1];
	p0 =	sne.s32 s2, $0x0  }
0x47: {  	s3 =	rddreg [dreg:$0x2];
	[bflag:$0x3] =	sbarrier.arrive $0xFFFF;
	s2 =	simm.s32 @!p0 $0x1C01  }
0x48: {  	[timem:s3], [sflag:s2] =	dma.local @!p0 [hbm:s0], s1  }
0x49: {  	s0 =	simm.s32 @!p0 $0x1  }
0x4a: {  	_ =	swait.ge @!p0 [sflag:s0], s1  }
0x4b: {  	s1 =	ssub.s32 @!p0 $0x0, s1;
	[sflag:s0] =	ssyncset.done @!p0 $0x0  }
0x4c: {  	[sflag:s0] =	ssyncadd.s32 @!p0 s1  }
0x4d: {  	[bflag:$0x3] =	sbarrier.arrive $0xFFFF  }
0x4e: {  	_ =	shalt  }

// kernel: gather_offload_async_start
scs
__scs_entry_jumppad:
0x0: {  	(pc) =	sbr.rel $0x88, $3  }
0x1: {  	(tag) =	ssettag $0x0;
	lr =	simm.s32 $0x1  }
0x2: {  	[smem:$0x3F9B] =	sst lr;
	_ =	strace $0xD0000000  }
0x3: {  	_ = 	snop  }
0x4: {  	_ = 	snop  }
0x5: {  	_ = 	snop  }
0x6: {  	_ = 	snop  }
0x7: {  	_ = 	snop  }
__scs_overlays_trampoline_lowered:
0x8: {  	[smem:$0x3FAA] =	sst s0  }
0x9: {  	[smem:$0x3FAB] =	sst s1  }
0xa: {  	[smem:$0x3FAC] =	sst s2  }
0xb: {  	[smem:$0x3FAD] =	sst s3  }
0xc: {  	[smem:$0x3FAE] =	sst s4  }
0xd: {  	[smem:$0x3FAF] =	sst s5  }
0xe: {  	[smem:$0x3FB0] =	sst s6  }
0xf: {  	[smem:$0x3FB1] =	sst s7  }
0x10: {  	[smem:$0x3FB2] =	sst s8  }
0x11: {  	[smem:$0x3FB3] =	sst s9;
	s0 =	simm.s32 @!p0 $0x0  }
0x12: {  	s1 =	sld [smem:$0x3F99];
	s0 =	simm.s32 @p0 $0x1  }
0x13: {  	[smem:$0x3FB4] =	sst s0;
	s0 =	simm.s32 @!p1 $0x0  }
0x14: {  	s2 =	sld [smem:$0x3F98];
	s0 =	simm.s32 @p1 $0x1  }
0x15: {  	[smem:$0x3FB5] =	sst s0;
	s0 =	simm.s32 @!p2 $0x0  }
0x16: {  	s3 =	sld [smem:$0x3FDB];
	s0 =	simm.s32 @p2 $0x1  }
0x17: {  	s4 =	simm.s32 $0x1BF5;
	[smem:$0x3FB7] =	sst s0  }
0x18: {  	s0 =	sld [smem:$0x3F9A];
	_ =	swait.ge [sflag:s4], $0x0  }
0x19: {  	s7 =	sld [smem:$0x3F9B]  }
0x1a: {  	s8 =	sadd.s32 $0xFFFFE003, lr  }
0x1b: {  	s9 =	sadd.s32 $0xFFFFFEF7, lr;
	s5 =	simm.s32 $0xFFFFFFFF;
	p2 =	slt.u32 s8, $0xFFFFF086  }
0x1c: {  	p1 =	slt.u32 s9, $0xF7A;
	s5 =	simm.s32 @!p2 $0x0  }
0x1d: {  	s5 =	simm.s32 @p1 $0x1;
	p0 =	seq.s32 s7, s2  }
0x1e: {  	s7 =	smul.u32 @!p0 $0xF7A, s2;
	p2 =	seq.s32 @!p0 s5, $0x0  }
0x1f: {  	s9 =	smul.u32 $0xF7A, s1;
	s8 =	simm.s32 @!p0 $0x1BF5;
	p2 =	por !p2, p0  }
0x20: {  	[sflag:s8] =	ssyncset.s32 @!p0 $0xFFFFF086;
	s6 =	sadd.s32 @!p0 s3, s7;
	s7 =	simm.s32 @!p0 $0x108  }
0x21: {  	s3 =	sadd.s32 s3, s9;
	s6 =	sadd.s32 @!p0 $0x88, s6;
	s7 =	simm.s32 @p2 $0x1082  }
0x22: {  	[simem:s7], [sflag:s8] =	dma.local @!p0 [hbm:s6], $0xF7A  }
0x23: {  	s9 =	sor.u32 $0xD0000000, s2;
	s6 =	simm.s32 $0x108;
	_ =	swait.ge @!p0 [sflag:s8], $0x0  }
0x24: {  	s3 =	sadd.s32 $0x88, s3;
	s6 =	simm.s32 @!p1 $0x1082;
	[sflag:s4] =	ssyncset.s32 $0xFFFFF086  }
0x25: {  	[simem:s6], [sflag:s4] =	dma.local [hbm:s3], $0xF7A  }
0x26: {  	[smem:$0x3F9B] =	sst s1;
	(tag) =	ssettag s2;
	_ =	strace s9  }
0x27: {  	s1 =	sld [smem:$0x3FAB]  }
0x28: {  	s2 =	sld [smem:$0x3FAC]  }
0x29: {  	s4 =	sld [smem:$0x3FAE]  }
0x2a: {  	p0 =	seq.s32 s5, $0x0;
	s5 =	sld [smem:$0x3FAF]  }
0x2b: {  	s6 =	sld [smem:$0x3FB0]  }
0x2c: {  	s7 =	sld [smem:$0x3FB1]  }
0x2d: {  	s3 =	simm.s32 $0x108;
	s8 =	sld [smem:$0x3FB2]  }
0x2e: {  	s3 =	simm.s32 @!p0 $0x1082;
	s9 =	sld [smem:$0x3FB3]  }
0x2f: {  	lr =	sadd.s32 s0, s3;
	s0 =	sld [smem:$0x3FAA]  }
0x30: {  	s3 =	sld [smem:$0x3FAD]  }
0x31: {  	[smem:$0x3FB6] =	sst s10  }
0x32: {  	s10 =	sld [smem:$0x3FB4];
	_ =	sdelay $0x3  }
0x33: {  	p0 =	seq.s32 s10, $0x1;
	s10 =	sld [smem:$0x3FB6];
	_ =	sdelay $0x3  }
0x34: {  	[smem:$0x3FB6] =	sst s10  }
0x35: {  	s10 =	sld [smem:$0x3FB5];
	_ =	sdelay $0x3  }
0x36: {  	p1 =	seq.s32 s10, $0x1;
	s10 =	sld [smem:$0x3FB6];
	_ =	sdelay $0x3  }
0x37: {  	[smem:$0x3FB6] =	sst s10  }
0x38: {  	s10 =	sld [smem:$0x3FB7]  }
0x39: {  	_ = 	snop;
	(pc) =	sbr.ind lr, $3  }
0x3a: {  	_ = 	snop  }
0x3b: {  	_ = 	snop  }
0x3c: {  	p2 =	seq.s32 s10, $0x1;
	s10 =	sld [smem:$0x3FB6]  }
0x3d: {  	_ =	shalt  }
0x3e: {  	_ =	shalt  }
0x3f: {  	_ =	shalt  }
0x40: {  	_ =	shalt  }
0x41: {  	_ =	shalt  }
0x42: {  	_ =	shalt  }
0x43: {  	_ =	shalt  }
0x44: {  	_ =	shalt  }
0x45: {  	_ =	shalt  }
0x46: {  	_ =	shalt  }
0x47: {  	_ =	shalt  }
0x48: {  	_ =	shalt  }
0x49: {  	_ =	shalt  }
0x4a: {  	_ =	shalt  }
0x4b: {  	_ =	shalt  }
0x4c: {  	_ =	shalt  }
0x4d: {  	_ =	shalt  }
0x4e: {  	_ =	shalt  }
0x4f: {  	_ =	shalt  }
0x50: {  	_ =	shalt  }
0x51: {  	_ =	shalt  }
0x52: {  	_ =	shalt  }
0x53: {  	_ =	shalt  }
0x54: {  	_ =	shalt  }
0x55: {  	_ =	shalt  }
0x56: {  	_ =	shalt  }
0x57: {  	_ =	shalt  }
0x58: {  	_ =	shalt  }
0x59: {  	_ =	shalt  }
0x5a: {  	_ =	shalt  }
0x5b: {  	_ =	shalt  }
0x5c: {  	_ =	shalt  }
0x5d: {  	_ =	shalt  }
0x5e: {  	_ =	shalt  }
0x5f: {  	_ =	shalt  }
0x60: {  	_ =	shalt  }
0x61: {  	_ =	shalt  }
0x62: {  	_ =	shalt  }
0x63: {  	_ =	shalt  }
0x64: {  	_ =	shalt  }
0x65: {  	_ =	shalt  }
0x66: {  	_ =	shalt  }
0x67: {  	_ =	shalt  }
0x68: {  	_ =	shalt  }
0x69: {  	_ =	shalt  }
0x6a: {  	_ =	shalt  }
0x6b: {  	_ =	shalt  }
0x6c: {  	_ =	shalt  }
0x6d: {  	_ =	shalt  }
0x6e: {  	_ =	shalt  }
0x6f: {  	_ =	shalt  }
0x70: {  	_ =	shalt  }
0x71: {  	_ =	shalt  }
0x72: {  	_ =	shalt  }
0x73: {  	_ =	shalt  }
0x74: {  	_ =	shalt  }
0x75: {  	_ =	shalt  }
0x76: {  	_ =	shalt  }
0x77: {  	_ =	shalt  }
0x78: {  	_ =	shalt  }
0x79: {  	_ =	shalt  }
0x7a: {  	_ =	shalt  }
0x7b: {  	_ =	shalt  }
0x7c: {  	_ =	shalt  }
0x7d: {  	_ =	shalt  }
0x7e: {  	_ =	shalt  }
0x7f: {  	_ =	shalt  }
0x80: {  	_ =	shalt  }
0x81: {  	_ =	shalt  }
0x82: {  	_ =	shalt  }
0x83: {  	_ =	shalt  }
0x84: {  	_ =	shalt  }
0x85: {  	_ =	shalt  }
0x86: {  	_ =	shalt  }
0x87: {  	_ =	shalt  }
.Lfunc_end0:
.L_simem_size_0:
called_computation_lowered:
.L_overlay_start_0:
0x88: {  	s2 =	sld [smem:$0x3FD9]  }
0x89: {  	s3 =	sld [smem:$0x3FFE];
	_ =	sdelay $0x1  }
0x8a: {  	s1 =	srdreg.scid  }
0x8b: {  	s0 =	sand.u32 $0x1, s1  }
0x8c: {  	s16 =	sshll.u32 s0, $0xA;
	s2 =	sadd.s32 s3, s2  }
0x8d: {  	s2 =	sadd.s32 s2, s16  }
0x8e: {  	[smem:$0x3FC2] =	sst s2  }
0x8f: {  	_ = 	snop  }
0x90: {  	(tm) =	ssettm $0x1  }
0x91: {  	s17 =	sld [smem:$0x3FFB];
	_ =	sdelay $0x3  }
0x92: {  	_ =	strace s17  }
0x93: {  	s2 =	sld [smem:$0x3FFC];
	_ =	sdelay $0x3  }
0x94: {  	_ =	strace s2  }
0x95: {  	s2 =	sld [smem:$0x3FFD];
	_ =	sdelay $0x3  }
0x96: {  	_ =	strace s2  }
0x97: {  	_ =	strace $0x8FFFFFFF  }
0x98: {  	s18 =	sld [smem:$0x3FDB];
	_ =	sdelay $0x1  }
0x99: {  	s19 =	simm.s32 $_scs_section_size  }
0x9a: {  	s4 =	simm.s32 $_size__tile_overlayer_lowered;
	s5 =	simm.s32 $_tile_overlayer_lowered  }
0x9b: {  	s22 =	simm.s32 $0x1BFF;
	s21 =	sshll.u32 s5, $0x1;
	s2 =	sadd.s32 s19, s18  }
0x9c: {  	s6 =	simm.s32 $0x0;
	s20 =	sshll.u32 s4, $0x1;
	s4 =	sadd.s32 s21, s2  }
0x9d: {  	[timem:s6], [sflag:s22] =	dma.local [hbm:s4], s20  }
0x9e: {  	_ =	swait.ge [sflag:s22], s20  }
0x9f: {  	s3 =	ssub.s32 $0x0, s20;
	[sflag:s22] =	ssyncset.done $0x0  }
0xa0: {  	[sflag:s22] =	ssyncadd.s32 s3;
	_ =	sdelay $0x1  }
0xa1: {  	s23 =	simm.s32 $0x1B8B  }
0xa2: {  	_ =	swait.ge [sflag:s23], $0x1  }
0xa3: {  	[sflag:s23] =	ssyncset.done $0x0  }
0xa4: {  	s25 =	simm.s32 $0x1B8E;
	s24 =	sld [smem:$0x3FFE];
	[sflag:s23] =	ssyncadd.s32 $0xFFFFFFFF  }
0xa5: {  	s26 =	simm.s32 $execute0_lowered;
	[smem:$0x3FD2] =	sst s25  }
0xa6: {  	s4 =	sshll.u32 s26, $0x1;
	_ =	strace $0x8000004C;
	[dreg:$0x1] =	wrdreg $0xFFFFFFFF  }
0xa7: {  	s28 =	simm.s32 $_size_execute0_lowered;
	s2 =	sadd.s32 s2, s4;
	[dreg:$0x0] =	wrdreg $0x0  }
0xa8: {  	s4 =	sshll.u32 s28, $0x1;
	[dreg:$0x2] =	wrdreg s2  }
0xa9: {  	[dreg:$0x3] =	wrdreg s4  }
0xaa: {  	[dreg:$0x4] =	wrdreg $0xC0  }
0xab: {  	_ =	task [dreg:s6], $0x5FFFF  }
0xac: {  	[dreg:$0x1] =	wrdreg $0xFFFFFFFF  }
0xad: {  	[dreg:$0x0] =	wrdreg $0x60  }
0xae: {  	[dreg:$0x2] =	wrdreg s24  }
0xaf: {  	[dreg:$0x3] =	wrdreg $0x9  }
0xb0: {  	_ =	task.clear_ibuf [dreg:s6], $0x4FFFF;
	_ =	strace $0x9000004C  }
0xb1: {  	s29 =	simm.s32 $0x9;
	_ =	strace $0x8000004E  }
0xb2: {  	_ =	swait.ge [sflag:s29], $0x1  }
0xb3: {  	[sflag:s29] =	ssyncadd.s32 $0xFFFFFFFF  }
0xb4: {  	_ =	strace $0x9000004E  }
0xb5: {  	_ =	sfence  }
0xb6: {  	s30 =	sld [smem:$0x0];
	_ =	sdelay $0x2  }
0xb7: {  	s31 =	sshll.u32 s1, $0xD;
	s1 =	sshrl.u32 s1, $0x2  }
0xb8: {  	s3 =	sand.u32 $0x4000, s31;
	s1 =	sadd.s32 s1, s30  }
0xb9: {  	s0 =	sor.u32 s3, s0;
	s1 =	sshll.u32 s1, $0x11  }
0xba: {  	s0 =	sor.u32 s1, s0  }
0xbb: {  	s0 =	sadd.s32 $0x8F2B, s0  }
0xbc: {  	[sflag:s0] =	ssyncadd.remote.s32 $0x1  }
0xbd: {  	_ =	sfence.sel $0xFFFF  }
0xbe: {  	[dreg:$0x0] =	wrdreg $0xFFFFFFFF;
	(pc) =	sbr.abs _section_cstart, $3  }
0xbf: {  	[dreg:$0x1] =	wrdreg $0xFFFFFFFF  }
0xc0: {  	_ =	task.clear_ibuf [dreg:s6], $0x2FFFF;
	_ =	strace $0x9FFFFFFF  }
0xc1: {  	(tm) =	ssettm $0x7FFFFFFF  }
tec
execute0_lowered:
.L_overlay_start_1:
0x0: {  	(tag) =	ssettag $0x1  }
0x1: {  	s8 =	rddreg [dreg:$0x0]  }
0x2: {  	s0 =	rddreg [dreg:$0x1];
	_ =	strace $0x8000004D;
	s1 =	stileid.u32  }
0x3: {  	s3 =	srdreg.scid;
	s4 =	simm.s32 $0x1;
	s7 =	simm.s32 $0x1  }
0x4: {  	s9 =	simm.s32 $0x1;
	s10 =	simm.s32 $0x3;
	s13 =	simm.s32 $0x0  }
0x5: {  	s12 =	simm.s32 $0x0;
	s5 =	sand.u32 $0x1, s3;
	s6 =	sshll.u32 s1, $0x1  }
0x6: {  	s2 =	sadd.s32 $0x75000, s8;
	s3 =	sadd.s32 $0x10A00, s8;
	s5 =	sor.u32 s6, s5  }
.Ltmp0:
0x7: {  	[sflag:s4] =	ssyncpa.u1 $0x0;
	p0 =	slt.u32 s5, $0x9;
	(pc) =	sbr.rel .LBB2_1-.Ltmp0, $4  }
0x8: {  	s6 =	simm.s32 $0x2;
	s7 =	simm.s32 @!p0 $0x0;
	p0 =	sne.s32 s5, $0x8  }
0x9: {  	[sflag:s6] =	ssyncpa.u1 $0x0;
	s5 =	smul.u32 $0x1F40, s5;
	s9 =	simm.s32 @!p0 $0x0  }
0xa: {  	s8 =	sadd.s32 $0xA6600, s8;
	[sflag:s10] =	ssyncpa.u1 $0x0;
	s7 =	sadd.s32 s9, s7  }
0xb: {  	vm0 =	vmmov $0xffff;
	s10 =	simm.s32 $0x0;
	s11 =	smov.u32 s5;
	s9 =	sadd.s32 $0x1, s7  }
.LBB2_4:
0xc: {  	v2 =	vnsel vm1, $0x0, v2  }
0xd: {  	vm1 =	vgt.s32 v0, $0x0;
	v2 =	vmin.u32 v2, $0x4E1FF  }
0xe: {  	v0 =	vnsel vm1, $0x0, v0  }
0xf: {  	v0 =	vmin.u32 v0, $0x4E1FF  }
0x10: {  	[tilespmem:s18], [sflag:$0x1] =	stream.indirect_vreg.gather [hbm4b:s2+s10], $0x1, v1, vm0, $0x4038;
	[tilespmem:$0x7D00] =	vst v63  }
0x11: {  	(ifvalue) =	ssetifvalue $0x7FFFFFFF  }
0x12: {  	[tilespmem:s15], [sflag:$0x1] =	stream.indirect_vreg.gather [hbm4b:s2+s10], $0x1, v2, vm0, $0x4038;
	[tilespmem:$0x7D00] =	vst v63  }
0x13: {  	s29 =	sadd.s32 $0x10, s15;
	(ifvalue) =	ssetifvalue $0x7FFFFFFF  }
0x14: {  	[tilespmem:s29], [sflag:$0x1] =	stream.indirect_vreg.gather [hbm4b:s2+s10], $0x1, v0, vm0, $0x4038;
	[tilespmem:$0x7D00] =	vst v63  }
0x15: {  	_ =	swait.ge [sflag:s4], $0x1F40  }
0x16: {  	s30 =	sshrl.u32 s13, $0x3;
	[sflag:s4] =	ssyncset.done $0x0  }
0x17: {  	s31 =	sand.u32 $0x7, s13;
	s15 =	sadd.s32 s8, s30;
	[sflag:s4] =	ssyncadd.s32 $0xFFFFE0C0  }
0x18: {  	[hbm4b:s15+s31] =	stream.linear.scatter [tilespmem:s14], [sflag:$0x3], $0x1F40, $0x38;
	[tilespmem:$0x7D00] =	vst v63  }
.LBB2_5:
0x19: {  	s15 =	sadd.s32 $0x3E800, s11  }
0x1a: {  	p1 =	sgt.s32 s15, $0x4E1FF  }
0x1b: {  	s15 =	smov.u32 @p1 s5;
	p1 =	sne.s32 s12, s9  }
.Ltmp1:
0x1c: {  	p0 =	slt.u32 s12, $0x2;
	(pc) =	sbr.rel @!p1 .LBB2_6-.Ltmp1, $4  }
0x1d: {  	s14 =	simm.s32 @!p0 $0x3  }
0x1e: {  	_ =	swait.ge @!p0 [sflag:s14], $0x1F40  }
0x1f: {  	s16 =	sadd.s32 $0x1, s12;
	s13 =	smov.u32 s11;
	[sflag:s14] =	ssyncset.done @!p0 $0x0  }
0x20: {  	s12 =	smov.u32 s16;
	s11 =	smov.u32 s15;
	[sflag:s14] =	ssyncadd.s32 @!p0 $0xFFFFE0C0  }
.LBB2_1:
0x21: {  	p0 =	sge.u32 s12, s7  }
0x22: {  	s14 =	sxor.u32 @!p0 $0x1, s12  }
0x23: {  	s14 =	smul.u32 @!p0 $0x7D00, s14  }
0x24: {  	s31 =	sadd.s32 $0xFFFFFFFF, s12;
	s15 =	sshrl.u32 @!p0 s11, $0x3  }
0x25: {  	s16 =	sand.u32 @!p0 $0x7, s11;
	s15 =	sadd.s32 @!p0 s3, s15;
	s14 =	sshra.s32 @!p0 s14, $0x2  }
0x26: {  	[tilespmem:s14], [sflag:$0x2] =	stream.linear.gather @!p0 [hbm4b:s15+s16], $0x1F40, $0x38;
	[tilespmem:$0x7D00] =	vst v63  }
0x27: {  	p0 =	sge.u32 s31, s7  }
.Ltmp2:
0x28: {  	_ = 	snop;
	(pc) =	sbr.rel @p0 .LBB2_5-.Ltmp2, $1  }
0x29: {  	_ =	sdelay $0x3  }
0x2a: {  	s14 =	sand.u32 $0x1, s12  }
0x2b: {  	_ =	swait.ge [sflag:s6], $0x1F40;
	p0 =	seq.s32 s14, $0x1;
	s14 =	simm.s32 $0x1F40  }
0x2c: {  	[sflag:s6] =	ssyncset.done $0x0;
	s14 =	simm.s32 @!p0 $0x0  }
0x2d: {  	[sflag:s6] =	ssyncadd.s32 $0xFFFFE0C0;
	(ifvalue) =	ssetifvalue $0x7FFFFFFF;
	v0 =	vld.msk [tilespmem:s14+$0x0 ss:$0x1], $0xffff;
	_ =	sdelay $0x4  }
0x2e: {  	s15 =	sadd.s32 $0x10, s14;
	vm1 =	vgt.s32 v0, $0x0  }
0x2f: {  	v2 =	vld.msk [tilespmem:s15+$0x0 ss:$0x1], $0xffff;
	v1 =	vnsel vm1, $0x0, v0  }
0x30: {  	v1 =	vmin.u32 v1, $0x4E1FF;
	_ =	sdelay $0x2  }
0x31: {  	s17 =	simm.s32 $0x20;
	s14 =	sadd.s32 $0x3E80, s14;
	s16 =	sadd.s32 $0x10, s15  }
0x32: {  	s15 =	sadd.s32 $0x10, s14;
	s18 =	smov.u32 s14;
	v0 =	vld.msk [tilespmem:s16+$0x0 ss:$0x1], $0xffff;
	vm1 =	vgt.s32 v2, $0x0;
	(ifvalue) =	ssetifvalue $0x7FFFFFFF  }
.LBB2_3:
0x33: {  	[tilespmem:s18], [sflag:$0x1] =	stream.indirect_vreg.gather [hbm4b:s2+s10], $0x1, v1, vm0, $0x4038;
	[tilespmem:$0x7D00] =	vst v63  }
0x34: {  	s17 =	sadd.s32 $0x10, s17  }
0x35: {  	v2 =	vnsel vm1, $0x0, v2;
	p0 =	slt.u32 s17, $0x1F30  }
.Ltmp3:
0x36: {  	s18 =	smov.u32 s15;
	v1 =	vmin.u32 v2, $0x4E1FF;
	(pc) =	sbr.rel @p0 .LBB2_3-.Ltmp3, $3  }
0x37: {  	_ =	sdelay $0x1  }
0x38: {  	s16 =	sadd.s32 $0x10, s16  }
0x39: {  	vm1 =	vgt.s32 v0, $0x0;
	s15 =	sadd.s32 $0x10, s15;
	v2 =	vmov v0;
	(ifvalue) =	ssetifvalue $0x7FFFFFFF;
	v0 =	vld.msk [tilespmem:s16+$0x0 ss:$0x1], $0xffff  }
.Ltmp4:
0x3a: {  	_ = 	snop;
	(pc) =	sbr.rel .LBB2_4-.Ltmp4, $1  }
0x3b: {  	_ =	sdelay $0x3  }
.LBB2_6:
0x3c: {  	_ =	sfence.sel $0x180000  }
0x3d: {  	s2 =	simm.s32 $0x2;
	[bflag:$0x0] =	sbarrier.arrive $0xFFFF  }
0x3e: {  	s30 =	simm.s32 $0x3;
	[sflag:s2] =	ssyncpa.u1 $0x1  }
0x3f: {  	s31 =	simm.s32 $0x1;
	[sflag:s30] =	ssyncpa.u1 $0x1  }
0x40: {  	[sflag:s31] =	ssyncpa.u1 $0x1  }
0x41: {  	p0 =	sne.s32 s1, $0x0;
	_ =	strace $0x9000004D  }
0x42: {  	s0 =	sadd.s32 @!p0 $0x100000, s0;
	[bflag:$0x2] =	sbarrier.arrive $0xFFFF  }
0x43: {  	[sflag:s0] =	ssyncadd.tile.s32 @!p0 $0x1;
	_ =	shalt  }
.Lfunc_end2:
_tile_overlayer_lowered:
.L_overlay_start_2:
0x44: {  	(tag) =	ssettag $0x2  }
0x45: {  	s0 =	rddreg [dreg:$0x0];
	s2 =	stileid.u32  }
0x46: {  	s1 =	rddreg [dreg:$0x1];
	p0 =	sne.s32 s2, $0x0  }
0x47: {  	s3 =	rddreg [dreg:$0x2];
	[bflag:$0x3] =	sbarrier.arrive $0xFFFF;
	s2 =	simm.s32 @!p0 $0x1C01  }
0x48: {  	[timem:s3], [sflag:s2] =	dma.local @!p0 [hbm:s0], s1  }
0x49: {  	s0 =	simm.s32 @!p0 $0x1  }
0x4a: {  	_ =	swait.ge @!p0 [sflag:s0], s1  }
0x4b: {  	s1 =	ssub.s32 @!p0 $0x0, s1;
	[sflag:s0] =	ssyncset.done @!p0 $0x0  }
0x4c: {  	[sflag:s0] =	ssyncadd.s32 @!p0 s1  }
0x4d: {  	[bflag:$0x3] =	sbarrier.arrive $0xFFFF  }
0x4e: {  	_ =	shalt  }

</sc_bundles>
